<compile_context>
chip_gen: v7x
topology: tpu7x:2x2x1
jax: 0.10.2.dev20260603
libtpu: 0.0.44.dev20260713+nightly
codegen_flags: <defaults>
</compile_context>

<pallas_src>
import functools

import jax
import jax.numpy as jnp
from jax import lax
from jax.experimental import pallas as pl
from jax.experimental.pallas import tpu as pltpu
from jax.experimental.pallas import tpu_sc as plsc

N = 10000
E = 320000
D = 128
C = 25

NC = 2
NS = 16
NW = NC * NS
CH = 128
NCH = 79
EPW = CH * NCH
EPAD = EPW * NW
NP = 10240
RPT = NP // NS

RB = 512
G = 20


def _sc_mesh():
    return plsc.VectorSubcoreMesh(core_axis_name="c", subcore_axis_name="s")


def _hist_body(dst_hbm, ones_hbm, z_hbm, out_hbm, dbuf, ones_v, zb, hbuf, hist_sh):
    c = lax.axis_index("c")
    s = lax.axis_index("s")
    tb = s * RPT
    pltpu.sync_copy(ones_hbm, ones_v)
    pltpu.sync_copy(z_hbm, zb)
    for k in range(RPT // CH):
        pltpu.sync_copy(zb, hist_sh.at[pl.ds(tb + k * CH, CH)])
    plsc.subcore_barrier()
    w = c * NS + s

    def body(j, carry):
        base = w * EPW + j * CH
        pltpu.sync_copy(dst_hbm.at[pl.ds(base, CH)], dbuf)
        pltpu.sync_copy(ones_v, hist_sh.at[dbuf], add=True)
        return carry

    lax.fori_loop(0, NCH, body, 0)
    plsc.subcore_barrier()
    pltpu.sync_copy(hist_sh.at[pl.ds(tb, RPT)], hbuf)
    pltpu.sync_copy(hbuf, out_hbm.at[c, pl.ds(tb, RPT)])


def _sc_hist(dst_pad, ones_row, z_row):
    k = functools.partial(
        pl.kernel,
        out_type=jax.ShapeDtypeStruct((NC, NP), jnp.float32),
        mesh=_sc_mesh(),
        scratch_types=[
            pltpu.VMEM((CH,), jnp.int32),
            pltpu.VMEM((CH,), jnp.float32),
            pltpu.VMEM((CH,), jnp.float32),
            pltpu.VMEM((RPT,), jnp.float32),
            pltpu.VMEM_SHARED((NP,), jnp.float32),
        ],
    )(_hist_body)
    return k(dst_pad, ones_row, z_row)


def _scatter_body(y_hbm, src_hbm, dst_hbm, z_hbm, out_hbm,
                  sbuf, dbuf, rows, sem, acc_sh):
    c = lax.axis_index("c")
    s = lax.axis_index("s")
    tb = s * RPT
    pltpu.sync_copy(z_hbm, rows)
    for k in range(RPT // CH):
        pltpu.sync_copy(rows, acc_sh.at[pl.ds(tb + k * CH, CH)])
    plsc.subcore_barrier()
    w = c * NS + s

    def body(j, carry):
        base = w * EPW + j * CH
        pltpu.sync_copy(src_hbm.at[pl.ds(base, CH)], sbuf)
        pltpu.sync_copy(dst_hbm.at[pl.ds(base, CH)], dbuf)
        pltpu.async_copy(y_hbm.at[sbuf], rows, sem).wait()
        pltpu.sync_copy(rows, acc_sh.at[dbuf], add=True)
        return carry

    lax.fori_loop(0, NCH, body, 0)
    plsc.subcore_barrier()
    for k in range(RPT // CH):
        pltpu.sync_copy(acc_sh.at[pl.ds(tb + k * CH, CH)], rows)
        pltpu.sync_copy(rows, out_hbm.at[c, pl.ds(tb + k * CH, CH)])


def _sc_scatter(y, src_pad, dst_pad, z_rows):
    k = functools.partial(
        pl.kernel,
        out_type=jax.ShapeDtypeStruct((NC, NP, D), jnp.float32),
        mesh=_sc_mesh(),
        scratch_types=[
            pltpu.VMEM((CH,), jnp.int32),
            pltpu.VMEM((CH,), jnp.int32),
            pltpu.VMEM((CH, D), jnp.float32),
            pltpu.SemaphoreType.DMA,
            pltpu.VMEM_SHARED((NP, D), jnp.float32),
        ],
    )(_scatter_body)
    return k(y, src_pad, dst_pad, z_rows)


def _dinv(degp_blk):
    deg = degp_blk[0] + degp_blk[1] + 1.0
    return lax.rsqrt(deg)


def _mm1_body(x_ref, degp_ref, w_ref, o_ref):
    dinv = _dinv(degp_ref[...])
    o_ref[...] = jnp.dot(dinv * x_ref[...], w_ref[...],
                         preferred_element_type=jnp.float32)


def _mm_mid_body(s_ref, y_ref, degp_ref, b_ref, w_ref, o_ref):
    dinv = _dinv(degp_ref[...])
    agg = dinv * (s_ref[0] + s_ref[1] + y_ref[...]) + b_ref[...]
    h = jnp.maximum(agg, 0.0)
    o_ref[...] = jnp.dot(dinv * h, w_ref[...],
                         preferred_element_type=jnp.float32)


def _mm_out_body(s_ref, y_ref, degp_ref, b_ref, w_ref, bl_ref, o_ref):
    dinv = _dinv(degp_ref[...])
    agg = dinv * (s_ref[0] + s_ref[1] + y_ref[...]) + b_ref[...]
    h = jnp.maximum(agg, 0.0)
    o_ref[...] = jnp.dot(h, w_ref[...],
                         preferred_element_type=jnp.float32) + bl_ref[...]


_ROWS = pl.BlockSpec((RB, D), lambda i: (i, 0))
_DEGP = pl.BlockSpec((NC, RB, 1), lambda i: (0, i, 0))
_WMAT = pl.BlockSpec((D, D), lambda i: (0, 0))
_BVEC = pl.BlockSpec((1, D), lambda i: (0, 0))
_SIN = pl.BlockSpec((NC, RB, D), lambda i: (0, i, 0))
_OUT = jax.ShapeDtypeStruct((N, D), jnp.float32)


def _mm1(x, degp3, W):
    return pl.pallas_call(
        _mm1_body, grid=(G,),
        in_specs=[_ROWS, _DEGP, _WMAT],
        out_specs=_ROWS, out_shape=_OUT,
    )(x, degp3, W)


def _mm_mid(s, y, degp3, b, W):
    return pl.pallas_call(
        _mm_mid_body, grid=(G,),
        in_specs=[_SIN, _ROWS, _DEGP, _BVEC, _WMAT],
        out_specs=_ROWS, out_shape=_OUT,
    )(s, y, degp3, b, W)


def _mm_out(s, y, degp3, b, W, bl):
    return pl.pallas_call(
        _mm_out_body, grid=(G,),
        in_specs=[_SIN, _ROWS, _DEGP, _BVEC, _WMAT, _BVEC],
        out_specs=_ROWS, out_shape=_OUT,
    )(s, y, degp3, b, W, bl)


def kernel(x, edge_index, W1, b1, W2, b2, Wl, bl):
    src = edge_index[0]
    dst = edge_index[1]
    pad = EPAD - E
    src_p = jnp.concatenate([src, jnp.zeros((pad,), jnp.int32)])
    dst_p = jnp.concatenate([dst, jnp.full((pad,), N, jnp.int32)])
    z_rows = jnp.zeros((CH, D), jnp.float32)
    z_row = jnp.zeros((CH,), jnp.float32)
    ones_row = jnp.ones((CH,), jnp.float32)
    b1r = b1.reshape(1, D)
    b2r = b2.reshape(1, D)
    Wlp = jnp.zeros((D, D), jnp.float32).at[:, :C].set(Wl)
    blp = jnp.zeros((1, D), jnp.float32).at[0, :C].set(bl)

    degp = _sc_hist(dst_p, ones_row, z_row)
    degp3 = degp[:, :, None]
    y1 = _mm1(x, degp3, W1)
    s1 = _sc_scatter(y1, src_p, dst_p, z_rows)
    y2 = _mm_mid(s1, y1, degp3, b1r, W2)
    s2 = _sc_scatter(y2, src_p, dst_p, z_rows)
    o = _mm_out(s2, y2, degp3, b2r, Wlp, blp)
    return o[:, :C]

# --- scband reference (transcript-rebuilt; emitter-appended) ---
"""Pipeline reference for scband-gcn-47158740910454 (READ-ONLY COPY).

The authoritative reference and input builder live on the scoring server;
editing this copy changes nothing except your own understanding.
"""

import jax, jax.numpy as jnp
import numpy as np

N = 10000
E = 320000
D = 128
H = 128
C = 25


def setup_inputs(seed: int = 0) -> dict:
    key = jax.random.key(seed)
    ks = jax.random.split(key, 8)
    x = jax.random.normal(ks[0], (N, D), dtype=jnp.float32)
    edge_index = jax.random.randint(ks[1], (2, E), 0, N, dtype=jnp.int32)
    W1 = jax.random.normal(ks[2], (D, H), dtype=jnp.float32) * (1.0 / np.sqrt(D))
    b1 = jnp.zeros((H,), dtype=jnp.float32)
    W2 = jax.random.normal(ks[3], (H, H), dtype=jnp.float32) * (1.0 / np.sqrt(H))
    b2 = jnp.zeros((H,), dtype=jnp.float32)
    Wl = jax.random.normal(ks[4], (H, C), dtype=jnp.float32) * (1.0 / np.sqrt(H))
    bl = jnp.zeros((C,), dtype=jnp.float32)
    return {"x": x, "edge_index": edge_index, "W1": W1, "b1": b1, "W2": W2, "b2": b2, "Wl": Wl, "bl": bl}


def _gcn_conv(x, edge_index, W, b):
    # GCNConv: D^{-1/2} (A + I) D^{-1/2} X W + b
    src = edge_index[0]
    dst = edge_index[1]
    loop = jnp.arange(N, dtype=src.dtype)
    src = jnp.concatenate([src, loop])
    dst = jnp.concatenate([dst, loop])
    deg = jnp.zeros((N,), dtype=x.dtype).at[dst].add(1.0)
    dinv = jnp.where(deg > 0, jax.lax.rsqrt(jnp.maximum(deg, 1e-12)), 0.0)
    norm = dinv[src] * dinv[dst]
    xw = x @ W
    msg = xw[src] * norm[:, None]
    agg = jnp.zeros((N, W.shape[1]), dtype=x.dtype).at[dst].add(msg)
    return agg + b


def reference(x, edge_index, W1, b1, W2, b2, Wl, bl):
    h = jax.nn.relu(_gcn_conv(x, edge_index, W1, b1))
    # dropout is identity in eval mode
    h = jax.nn.relu(_gcn_conv(h, edge_index, W2, b2))
    return h @ Wl + bl

if __name__ == "__main__":
    import jax
    _d = setup_inputs()
    print(jax.jit(kernel)(*tuple(_d.values())))

</pallas_src>

<mosaic_0001>
#map = affine_map<(d0, d1) -> (0, 0)>
#map1 = affine_map<(d0, d1) -> (0)>
#map2 = affine_map<(d0, d1) -> (0, 0, 0)>
module attributes {stable_mosaic.version = 14 : i64} {
  func.func @_scatter_body(%arg0: i32, %arg1: i32, %arg2: memref<10000x128xf32, #tpu.memory_space<hbm>>, %arg3: memref<323584xi32, #tpu.memory_space<hbm>>, %arg4: memref<323584xi32, #tpu.memory_space<hbm>>, %arg5: memref<128x128xf32, #tpu.memory_space<hbm>>, %arg6: memref<2x10240x128xf32, #tpu.memory_space<hbm>>, %arg7: memref<128xi32, #tpu.memory_space<vmem>>, %arg8: memref<128xi32, #tpu.memory_space<vmem>>, %arg9: memref<128x128xf32, #tpu.memory_space<vmem>>, %arg10: memref<!tpu.dma_semaphore, #tpu.memory_space<semaphore_mem>>, %arg11: memref<10240x128xf32, #tpu.memory_space<vmem_shared>>) attributes {dimension_semantics = [#tpu.dimension_semantics<core_parallel>, #tpu.dimension_semantics<subcore_parallel>], iteration_bounds = array<i64: 2, 16>, scalar_prefetch = 0 : i64, scratch_operands = 5 : i64, tpu.core_type = #tpu.core_type<sc_vector_subcore>, window_params = [{transform_indices = #map}, {transform_indices = #map1}, {transform_indices = #map1}, {transform_indices = #map}, {transform_indices = #map2}]} {
    %mul3A = arith.constant 640 : i32
    %mul3A_0 = arith.muli %arg1, %mul3A : i32
    "tpu.region"() ({
      %run_scoped3A = tpu.sem_alloc : memref<!tpu.dma_semaphore, #tpu.memory_space<semaphore_mem>>
      tpu.enqueue_dma source(%arg5 : memref<128x128xf32, #tpu.memory_space<hbm>>) target(%arg9 : memref<128x128xf32, #tpu.memory_space<vmem>>) target_semaphore(%run_scoped3A : memref<!tpu.dma_semaphore, #tpu.memory_space<semaphore_mem>>)
      tpu.wait_dma2 semaphore(%run_scoped3A : memref<!tpu.dma_semaphore, #tpu.memory_space<semaphore_mem>>) src(%arg5 : memref<128x128xf32, #tpu.memory_space<hbm>>) dst(%arg9 : memref<128x128xf32, #tpu.memory_space<vmem>>)
      tpu.yield
    }) : () -> ()
    %add3A = arith.constant 0 : i32
    %add3A_1 = arith.addi %mul3A_0, %add3A : i32
    "tpu.region"() ({
      %run_scoped3A = tpu.sem_alloc : memref<!tpu.dma_semaphore, #tpu.memory_space<semaphore_mem>>
      %dma_start3A = arith.constant 0 : i32
      %dma_start3A_39 = tpu.memref_slice %arg11[%add3A_1, %dma_start3A] : memref<10240x128xf32, #tpu.memory_space<vmem_shared>> -> memref<128x128xf32, #tpu.memory_space<vmem_shared>>
      %dma_start3A_40 = arith.constant 0 : i32
      %dma_start3A_41 = tpu.memref_slice %arg11[%add3A_1, %dma_start3A_40] : memref<10240x128xf32, #tpu.memory_space<vmem_shared>> -> memref<128x128xf32, #tpu.memory_space<vmem_shared>>
      tpu.enqueue_dma source(%arg9 : memref<128x128xf32, #tpu.memory_space<vmem>>) target(%dma_start3A_41 : memref<128x128xf32, #tpu.memory_space<vmem_shared>>) target_semaphore(%run_scoped3A : memref<!tpu.dma_semaphore, #tpu.memory_space<semaphore_mem>>)
      %dma_wait3A = arith.constant 0 : i32
      %dma_wait3A_42 = tpu.memref_slice %arg11[%add3A_1, %dma_wait3A] : memref<10240x128xf32, #tpu.memory_space<vmem_shared>> -> memref<128x128xf32, #tpu.memory_space<vmem_shared>>
      %dma_wait3A_43 = arith.constant 0 : i32
      %dma_wait3A_44 = tpu.memref_slice %arg11[%add3A_1, %dma_wait3A_43] : memref<10240x128xf32, #tpu.memory_space<vmem_shared>> -> memref<128x128xf32, #tpu.memory_space<vmem_shared>>
      tpu.wait_dma2 semaphore(%run_scoped3A : memref<!tpu.dma_semaphore, #tpu.memory_space<semaphore_mem>>) src(%arg9 : memref<128x128xf32, #tpu.memory_space<vmem>>) dst(%dma_wait3A_44 : memref<128x128xf32, #tpu.memory_space<vmem_shared>>)
      tpu.yield
    }) : () -> ()
    %add3A_2 = arith.constant 128 : i32
    %add3A_3 = arith.addi %mul3A_0, %add3A_2 : i32
    "tpu.region"() ({
      %run_scoped3A = tpu.sem_alloc : memref<!tpu.dma_semaphore, #tpu.memory_space<semaphore_mem>>
      %dma_start3A = arith.constant 0 : i32
      %dma_start3A_39 = tpu.memref_slice %arg11[%add3A_3, %dma_start3A] : memref<10240x128xf32, #tpu.memory_space<vmem_shared>> -> memref<128x128xf32, #tpu.memory_space<vmem_shared>>
      %dma_start3A_40 = arith.constant 0 : i32
      %dma_start3A_41 = tpu.memref_slice %arg11[%add3A_3, %dma_start3A_40] : memref<10240x128xf32, #tpu.memory_space<vmem_shared>> -> memref<128x128xf32, #tpu.memory_space<vmem_shared>>
      tpu.enqueue_dma source(%arg9 : memref<128x128xf32, #tpu.memory_space<vmem>>) target(%dma_start3A_41 : memref<128x128xf32, #tpu.memory_space<vmem_shared>>) target_semaphore(%run_scoped3A : memref<!tpu.dma_semaphore, #tpu.memory_space<semaphore_mem>>)
      %dma_wait3A = arith.constant 0 : i32
      %dma_wait3A_42 = tpu.memref_slice %arg11[%add3A_3, %dma_wait3A] : memref<10240x128xf32, #tpu.memory_space<vmem_shared>> -> memref<128x128xf32, #tpu.memory_space<vmem_shared>>
      %dma_wait3A_43 = arith.constant 0 : i32
      %dma_wait3A_44 = tpu.memref_slice %arg11[%add3A_3, %dma_wait3A_43] : memref<10240x128xf32, #tpu.memory_space<vmem_shared>> -> memref<128x128xf32, #tpu.memory_space<vmem_shared>>
      tpu.wait_dma2 semaphore(%run_scoped3A : memref<!tpu.dma_semaphore, #tpu.memory_space<semaphore_mem>>) src(%arg9 : memref<128x128xf32, #tpu.memory_space<vmem>>) dst(%dma_wait3A_44 : memref<128x128xf32, #tpu.memory_space<vmem_shared>>)
      tpu.yield
    }) : () -> ()
    %add3A_4 = arith.constant 256 : i32
    %add3A_5 = arith.addi %mul3A_0, %add3A_4 : i32
    "tpu.region"() ({
      %run_scoped3A = tpu.sem_alloc : memref<!tpu.dma_semaphore, #tpu.memory_space<semaphore_mem>>
      %dma_start3A = arith.constant 0 : i32
      %dma_start3A_39 = tpu.memref_slice %arg11[%add3A_5, %dma_start3A] : memref<10240x128xf32, #tpu.memory_space<vmem_shared>> -> memref<128x128xf32, #tpu.memory_space<vmem_shared>>
      %dma_start3A_40 = arith.constant 0 : i32
      %dma_start3A_41 = tpu.memref_slice %arg11[%add3A_5, %dma_start3A_40] : memref<10240x128xf32, #tpu.memory_space<vmem_shared>> -> memref<128x128xf32, #tpu.memory_space<vmem_shared>>
      tpu.enqueue_dma source(%arg9 : memref<128x128xf32, #tpu.memory_space<vmem>>) target(%dma_start3A_41 : memref<128x128xf32, #tpu.memory_space<vmem_shared>>) target_semaphore(%run_scoped3A : memref<!tpu.dma_semaphore, #tpu.memory_space<semaphore_mem>>)
      %dma_wait3A = arith.constant 0 : i32
      %dma_wait3A_42 = tpu.memref_slice %arg11[%add3A_5, %dma_wait3A] : memref<10240x128xf32, #tpu.memory_space<vmem_shared>> -> memref<128x128xf32, #tpu.memory_space<vmem_shared>>
      %dma_wait3A_43 = arith.constant 0 : i32
      %dma_wait3A_44 = tpu.memref_slice %arg11[%add3A_5, %dma_wait3A_43] : memref<10240x128xf32, #tpu.memory_space<vmem_shared>> -> memref<128x128xf32, #tpu.memory_space<vmem_shared>>
      tpu.wait_dma2 semaphore(%run_scoped3A : memref<!tpu.dma_semaphore, #tpu.memory_space<semaphore_mem>>) src(%arg9 : memref<128x128xf32, #tpu.memory_space<vmem>>) dst(%dma_wait3A_44 : memref<128x128xf32, #tpu.memory_space<vmem_shared>>)
      tpu.yield
    }) : () -> ()
    %add3A_6 = arith.constant 384 : i32
    %add3A_7 = arith.addi %mul3A_0, %add3A_6 : i32
    "tpu.region"() ({
      %run_scoped3A = tpu.sem_alloc : memref<!tpu.dma_semaphore, #tpu.memory_space<semaphore_mem>>
      %dma_start3A = arith.constant 0 : i32
      %dma_start3A_39 = tpu.memref_slice %arg11[%add3A_7, %dma_start3A] : memref<10240x128xf32, #tpu.memory_space<vmem_shared>> -> memref<128x128xf32, #tpu.memory_space<vmem_shared>>
      %dma_start3A_40 = arith.constant 0 : i32
      %dma_start3A_41 = tpu.memref_slice %arg11[%add3A_7, %dma_start3A_40] : memref<10240x128xf32, #tpu.memory_space<vmem_shared>> -> memref<128x128xf32, #tpu.memory_space<vmem_shared>>
      tpu.enqueue_dma source(%arg9 : memref<128x128xf32, #tpu.memory_space<vmem>>) target(%dma_start3A_41 : memref<128x128xf32, #tpu.memory_space<vmem_shared>>) target_semaphore(%run_scoped3A : memref<!tpu.dma_semaphore, #tpu.memory_space<semaphore_mem>>)
      %dma_wait3A = arith.constant 0 : i32
      %dma_wait3A_42 = tpu.memref_slice %arg11[%add3A_7, %dma_wait3A] : memref<10240x128xf32, #tpu.memory_space<vmem_shared>> -> memref<128x128xf32, #tpu.memory_space<vmem_shared>>
      %dma_wait3A_43 = arith.constant 0 : i32
      %dma_wait3A_44 = tpu.memref_slice %arg11[%add3A_7, %dma_wait3A_43] : memref<10240x128xf32, #tpu.memory_space<vmem_shared>> -> memref<128x128xf32, #tpu.memory_space<vmem_shared>>
      tpu.wait_dma2 semaphore(%run_scoped3A : memref<!tpu.dma_semaphore, #tpu.memory_space<semaphore_mem>>) src(%arg9 : memref<128x128xf32, #tpu.memory_space<vmem>>) dst(%dma_wait3A_44 : memref<128x128xf32, #tpu.memory_space<vmem_shared>>)
      tpu.yield
    }) : () -> ()
    %add3A_8 = arith.constant 512 : i32
    %add3A_9 = arith.addi %mul3A_0, %add3A_8 : i32
    "tpu.region"() ({
      %run_scoped3A = tpu.sem_alloc : memref<!tpu.dma_semaphore, #tpu.memory_space<semaphore_mem>>
      %dma_start3A = arith.constant 0 : i32
      %dma_start3A_39 = tpu.memref_slice %arg11[%add3A_9, %dma_start3A] : memref<10240x128xf32, #tpu.memory_space<vmem_shared>> -> memref<128x128xf32, #tpu.memory_space<vmem_shared>>
      %dma_start3A_40 = arith.constant 0 : i32
      %dma_start3A_41 = tpu.memref_slice %arg11[%add3A_9, %dma_start3A_40] : memref<10240x128xf32, #tpu.memory_space<vmem_shared>> -> memref<128x128xf32, #tpu.memory_space<vmem_shared>>
      tpu.enqueue_dma source(%arg9 : memref<128x128xf32, #tpu.memory_space<vmem>>) target(%dma_start3A_41 : memref<128x128xf32, #tpu.memory_space<vmem_shared>>) target_semaphore(%run_scoped3A : memref<!tpu.dma_semaphore, #tpu.memory_space<semaphore_mem>>)
      %dma_wait3A = arith.constant 0 : i32
      %dma_wait3A_42 = tpu.memref_slice %arg11[%add3A_9, %dma_wait3A] : memref<10240x128xf32, #tpu.memory_space<vmem_shared>> -> memref<128x128xf32, #tpu.memory_space<vmem_shared>>
      %dma_wait3A_43 = arith.constant 0 : i32
      %dma_wait3A_44 = tpu.memref_slice %arg11[%add3A_9, %dma_wait3A_43] : memref<10240x128xf32, #tpu.memory_space<vmem_shared>> -> memref<128x128xf32, #tpu.memory_space<vmem_shared>>
      tpu.wait_dma2 semaphore(%run_scoped3A : memref<!tpu.dma_semaphore, #tpu.memory_space<semaphore_mem>>) src(%arg9 : memref<128x128xf32, #tpu.memory_space<vmem>>) dst(%dma_wait3A_44 : memref<128x128xf32, #tpu.memory_space<vmem_shared>>)
      tpu.yield
    }) : () -> ()
    %barrier3A = arith.constant 0 : index
    tpu.barrier barrier_id(%barrier3A)
    %mul3A_10 = arith.constant 16 : i32
    %mul3A_11 = arith.muli %arg0, %mul3A_10 : i32
    %add3A_12 = arith.addi %mul3A_11, %arg1 : i32
    %scan3A = arith.constant 0 : i32
    %scan3A_13 = arith.constant 0 : i32
    %scan3A_14 = arith.constant 79 : i32
    %scan3A_15 = arith.addi %scan3A_13, %scan3A_14 : i32
    %scan3A_16 = arith.constant 1 : i32
    scf.for %scan3A_39 = %scan3A_13 to %scan3A_15 step %scan3A_16  : i32 {
      %mul3A_40 = arith.constant 10112 : i32
      %mul3A_41 = arith.muli %add3A_12, %mul3A_40 : i32
      %mul3A_42 = arith.constant 128 : i32
      %mul3A_43 = arith.muli %scan3A_39, %mul3A_42 : i32
      %add3A_44 = arith.addi %mul3A_41, %mul3A_43 : i32
      "tpu.region"() ({
        %run_scoped3A = tpu.sem_alloc : memref<!tpu.dma_semaphore, #tpu.memory_space<semaphore_mem>>
        %dma_start3A_49 = tpu.memref_slice %arg3[%add3A_44] : memref<323584xi32, #tpu.memory_space<hbm>> -> memref<128xi32, #tpu.memory_space<hbm>>
        %dma_start3A_50 = tpu.memref_slice %arg3[%add3A_44] : memref<323584xi32, #tpu.memory_space<hbm>> -> memref<128xi32, #tpu.memory_space<hbm>>
        tpu.enqueue_dma source(%dma_start3A_50 : memref<128xi32, #tpu.memory_space<hbm>>) target(%arg7 : memref<128xi32, #tpu.memory_space<vmem>>) target_semaphore(%run_scoped3A : memref<!tpu.dma_semaphore, #tpu.memory_space<semaphore_mem>>)
        %dma_wait3A_51 = tpu.memref_slice %arg3[%add3A_44] : memref<323584xi32, #tpu.memory_space<hbm>> -> memref<128xi32, #tpu.memory_space<hbm>>
        %dma_wait3A_52 = tpu.memref_slice %arg3[%add3A_44] : memref<323584xi32, #tpu.memory_space<hbm>> -> memref<128xi32, #tpu.memory_space<hbm>>
        tpu.wait_dma2 semaphore(%run_scoped3A : memref<!tpu.dma_semaphore, #tpu.memory_space<semaphore_mem>>) src(%dma_wait3A_52 : memref<128xi32, #tpu.memory_space<hbm>>) dst(%arg7 : memref<128xi32, #tpu.memory_space<vmem>>)
        tpu.yield
      }) : () -> ()
      "tpu.region"() ({
        %run_scoped3A = tpu.sem_alloc : memref<!tpu.dma_semaphore, #tpu.memory_space<semaphore_mem>>
        %dma_start3A_49 = tpu.memref_slice %arg4[%add3A_44] : memref<323584xi32, #tpu.memory_space<hbm>> -> memref<128xi32, #tpu.memory_space<hbm>>
        %dma_start3A_50 = tpu.memref_slice %arg4[%add3A_44] : memref<323584xi32, #tpu.memory_space<hbm>> -> memref<128xi32, #tpu.memory_space<hbm>>
        tpu.enqueue_dma source(%dma_start3A_50 : memref<128xi32, #tpu.memory_space<hbm>>) target(%arg8 : memref<128xi32, #tpu.memory_space<vmem>>) target_semaphore(%run_scoped3A : memref<!tpu.dma_semaphore, #tpu.memory_space<semaphore_mem>>)
        %dma_wait3A_51 = tpu.memref_slice %arg4[%add3A_44] : memref<323584xi32, #tpu.memory_space<hbm>> -> memref<128xi32, #tpu.memory_space<hbm>>
        %dma_wait3A_52 = tpu.memref_slice %arg4[%add3A_44] : memref<323584xi32, #tpu.memory_space<hbm>> -> memref<128xi32, #tpu.memory_space<hbm>>
        tpu.wait_dma2 semaphore(%run_scoped3A : memref<!tpu.dma_semaphore, #tpu.memory_space<semaphore_mem>>) src(%dma_wait3A_52 : memref<128xi32, #tpu.memory_space<hbm>>) dst(%arg8 : memref<128xi32, #tpu.memory_space<vmem>>)
        tpu.yield
      }) : () -> ()
      %dma_start3A = arith.constant 0 : i32
      %dma_start3A_45 = arith.constant 0 : i32
      %dma_start3A_46 = tpu.memref_slice %arg2[%dma_start3A, %dma_start3A_45] : memref<10000x128xf32, #tpu.memory_space<hbm>> -> memref<10000x128xf32, #tpu.memory_space<hbm>>
      tpu.enqueue_indirect_dma source(%dma_start3A_46 : memref<10000x128xf32, #tpu.memory_space<hbm>>) target(%arg9 : memref<128x128xf32, #tpu.memory_space<vmem>>) offsets(%arg7 : memref<128xi32, #tpu.memory_space<vmem>>) semaphore(%arg10 : memref<!tpu.dma_semaphore, #tpu.memory_space<semaphore_mem>>)
      %dma_wait3A = arith.constant 0 : i32
      %dma_wait3A_47 = arith.constant 0 : i32
      %dma_wait3A_48 = tpu.memref_slice %arg2[%dma_wait3A, %dma_wait3A_47] : memref<10000x128xf32, #tpu.memory_space<hbm>> -> memref<10000x128xf32, #tpu.memory_space<hbm>>
      tpu.wait_indirect_dma semaphore(%arg10 : memref<!tpu.dma_semaphore, #tpu.memory_space<semaphore_mem>>) src(%dma_wait3A_48 : memref<10000x128xf32, #tpu.memory_space<hbm>>) dst(%arg9 : memref<128x128xf32, #tpu.memory_space<vmem>>)
      "tpu.region"() ({
        %run_scoped3A = tpu.sem_alloc : memref<!tpu.dma_semaphore, #tpu.memory_space<semaphore_mem>>
        %dma_start3A_49 = arith.constant 0 : i32
        %dma_start3A_50 = arith.constant 0 : i32
        %dma_start3A_51 = tpu.memref_slice %arg11[%dma_start3A_49, %dma_start3A_50] : memref<10240x128xf32, #tpu.memory_space<vmem_shared>> -> memref<10240x128xf32, #tpu.memory_space<vmem_shared>>
        tpu.enqueue_indirect_dma source(%arg9 : memref<128x128xf32, #tpu.memory_space<vmem>>) target(%dma_start3A_51 : memref<10240x128xf32, #tpu.memory_space<vmem_shared>>) offsets(%arg8 : memref<128xi32, #tpu.memory_space<vmem>>) semaphore(%run_scoped3A : memref<!tpu.dma_semaphore, #tpu.memory_space<semaphore_mem>>) {add = true}
        %dma_wait3A_52 = arith.constant 0 : i32
        %dma_wait3A_53 = arith.constant 0 : i32
        %dma_wait3A_54 = tpu.memref_slice %arg11[%dma_wait3A_52, %dma_wait3A_53] : memref<10240x128xf32, #tpu.memory_space<vmem_shared>> -> memref<10240x128xf32, #tpu.memory_space<vmem_shared>>
        tpu.wait_indirect_dma semaphore(%run_scoped3A : memref<!tpu.dma_semaphore, #tpu.memory_space<semaphore_mem>>) src(%arg9 : memref<128x128xf32, #tpu.memory_space<vmem>>) dst(%dma_wait3A_54 : memref<10240x128xf32, #tpu.memory_space<vmem_shared>>)
        tpu.yield
      }) : () -> ()
    }
    %scan3A_17 = arith.constant 79 : i32
    %barrier3A_18 = arith.constant 0 : index
    tpu.barrier barrier_id(%barrier3A_18)
    %add3A_19 = arith.constant 0 : i32
    %add3A_20 = arith.addi %mul3A_0, %add3A_19 : i32
    "tpu.region"() ({
      %run_scoped3A = tpu.sem_alloc : memref<!tpu.dma_semaphore, #tpu.memory_space<semaphore_mem>>
      %dma_start3A = arith.constant 0 : i32
      %dma_start3A_39 = tpu.memref_slice %arg11[%add3A_20, %dma_start3A] : memref<10240x128xf32, #tpu.memory_space<vmem_shared>> -> memref<128x128xf32, #tpu.memory_space<vmem_shared>>
      %dma_start3A_40 = arith.constant 0 : i32
      %dma_start3A_41 = tpu.memref_slice %arg11[%add3A_20, %dma_start3A_40] : memref<10240x128xf32, #tpu.memory_space<vmem_shared>> -> memref<128x128xf32, #tpu.memory_space<vmem_shared>>
      tpu.enqueue_dma source(%dma_start3A_41 : memref<128x128xf32, #tpu.memory_space<vmem_shared>>) target(%arg9 : memref<128x128xf32, #tpu.memory_space<vmem>>) target_semaphore(%run_scoped3A : memref<!tpu.dma_semaphore, #tpu.memory_space<semaphore_mem>>)
      %dma_wait3A = arith.constant 0 : i32
      %dma_wait3A_42 = tpu.memref_slice %arg11[%add3A_20, %dma_wait3A] : memref<10240x128xf32, #tpu.memory_space<vmem_shared>> -> memref<128x128xf32, #tpu.memory_space<vmem_shared>>
      %dma_wait3A_43 = arith.constant 0 : i32
      %dma_wait3A_44 = tpu.memref_slice %arg11[%add3A_20, %dma_wait3A_43] : memref<10240x128xf32, #tpu.memory_space<vmem_shared>> -> memref<128x128xf32, #tpu.memory_space<vmem_shared>>
      tpu.wait_dma2 semaphore(%run_scoped3A : memref<!tpu.dma_semaphore, #tpu.memory_space<semaphore_mem>>) src(%dma_wait3A_44 : memref<128x128xf32, #tpu.memory_space<vmem_shared>>) dst(%arg9 : memref<128x128xf32, #tpu.memory_space<vmem>>)
      tpu.yield
    }) : () -> ()
    %add3A_21 = arith.constant 0 : i32
    %add3A_22 = arith.addi %mul3A_0, %add3A_21 : i32
    "tpu.region"() ({
      %run_scoped3A = tpu.sem_alloc : memref<!tpu.dma_semaphore, #tpu.memory_space<semaphore_mem>>
      %dma_start3A = arith.constant 0 : i32
      %dma_start3A_39 = tpu.memref_slice %arg6[%arg0, %add3A_22, %dma_start3A] : memref<2x10240x128xf32, #tpu.memory_space<hbm>> -> memref<1x128x128xf32, #tpu.memory_space<hbm>>
      %dma_start3A_40 = tpu.memref_squeeze %dma_start3A_39 : memref<1x128x128xf32, #tpu.memory_space<hbm>> -> memref<128x128xf32, #tpu.memory_space<hbm>>
      %dma_start3A_41 = arith.constant 0 : i32
      %dma_start3A_42 = tpu.memref_slice %arg6[%arg0, %add3A_22, %dma_start3A_41] : memref<2x10240x128xf32, #tpu.memory_space<hbm>> -> memref<1x128x128xf32, #tpu.memory_space<hbm>>
      %dma_start3A_43 = tpu.memref_squeeze %dma_start3A_42 : memref<1x128x128xf32, #tpu.memory_space<hbm>> -> memref<128x128xf32, #tpu.memory_space<hbm>>
      tpu.enqueue_dma source(%arg9 : memref<128x128xf32, #tpu.memory_space<vmem>>) target(%dma_start3A_43 : memref<128x128xf32, #tpu.memory_space<hbm>>) target_semaphore(%run_scoped3A : memref<!tpu.dma_semaphore, #tpu.memory_space<semaphore_mem>>)
      %dma_wait3A = arith.constant 0 : i32
      %dma_wait3A_44 = tpu.memref_slice %arg6[%arg0, %add3A_22, %dma_wait3A] : memref<2x10240x128xf32, #tpu.memory_space<hbm>> -> memref<1x128x128xf32, #tpu.memory_space<hbm>>
      %dma_wait3A_45 = tpu.memref_squeeze %dma_wait3A_44 : memref<1x128x128xf32, #tpu.memory_space<hbm>> -> memref<128x128xf32, #tpu.memory_space<hbm>>
      %dma_wait3A_46 = arith.constant 0 : i32
      %dma_wait3A_47 = tpu.memref_slice %arg6[%arg0, %add3A_22, %dma_wait3A_46] : memref<2x10240x128xf32, #tpu.memory_space<hbm>> -> memref<1x128x128xf32, #tpu.memory_space<hbm>>
      %dma_wait3A_48 = tpu.memref_squeeze %dma_wait3A_47 : memref<1x128x128xf32, #tpu.memory_space<hbm>> -> memref<128x128xf32, #tpu.memory_space<hbm>>
      tpu.wait_dma2 semaphore(%run_scoped3A : memref<!tpu.dma_semaphore, #tpu.memory_space<semaphore_mem>>) src(%arg9 : memref<128x128xf32, #tpu.memory_space<vmem>>) dst(%dma_wait3A_48 : memref<128x128xf32, #tpu.memory_space<hbm>>)
      tpu.yield
    }) : () -> ()
    %add3A_23 = arith.constant 128 : i32
    %add3A_24 = arith.addi %mul3A_0, %add3A_23 : i32
    "tpu.region"() ({
      %run_scoped3A = tpu.sem_alloc : memref<!tpu.dma_semaphore, #tpu.memory_space<semaphore_mem>>
      %dma_start3A = arith.constant 0 : i32
      %dma_start3A_39 = tpu.memref_slice %arg11[%add3A_24, %dma_start3A] : memref<10240x128xf32, #tpu.memory_space<vmem_shared>> -> memref<128x128xf32, #tpu.memory_space<vmem_shared>>
      %dma_start3A_40 = arith.constant 0 : i32
      %dma_start3A_41 = tpu.memref_slice %arg11[%add3A_24, %dma_start3A_40] : memref<10240x128xf32, #tpu.memory_space<vmem_shared>> -> memref<128x128xf32, #tpu.memory_space<vmem_shared>>
      tpu.enqueue_dma source(%dma_start3A_41 : memref<128x128xf32, #tpu.memory_space<vmem_shared>>) target(%arg9 : memref<128x128xf32, #tpu.memory_space<vmem>>) target_semaphore(%run_scoped3A : memref<!tpu.dma_semaphore, #tpu.memory_space<semaphore_mem>>)
      %dma_wait3A = arith.constant 0 : i32
      %dma_wait3A_42 = tpu.memref_slice %arg11[%add3A_24, %dma_wait3A] : memref<10240x128xf32, #tpu.memory_space<vmem_shared>> -> memref<128x128xf32, #tpu.memory_space<vmem_shared>>
      %dma_wait3A_43 = arith.constant 0 : i32
      %dma_wait3A_44 = tpu.memref_slice %arg11[%add3A_24, %dma_wait3A_43] : memref<10240x128xf32, #tpu.memory_space<vmem_shared>> -> memref<128x128xf32, #tpu.memory_space<vmem_shared>>
      tpu.wait_dma2 semaphore(%run_scoped3A : memref<!tpu.dma_semaphore, #tpu.memory_space<semaphore_mem>>) src(%dma_wait3A_44 : memref<128x128xf32, #tpu.memory_space<vmem_shared>>) dst(%arg9 : memref<128x128xf32, #tpu.memory_space<vmem>>)
      tpu.yield
    }) : () -> ()
    %add3A_25 = arith.constant 128 : i32
    %add3A_26 = arith.addi %mul3A_0, %add3A_25 : i32
    "tpu.region"() ({
      %run_scoped3A = tpu.sem_alloc : memref<!tpu.dma_semaphore, #tpu.memory_space<semaphore_mem>>
      %dma_start3A = arith.constant 0 : i32
      %dma_start3A_39 = tpu.memref_slice %arg6[%arg0, %add3A_26, %dma_start3A] : memref<2x10240x128xf32, #tpu.memory_space<hbm>> -> memref<1x128x128xf32, #tpu.memory_space<hbm>>
      %dma_start3A_40 = tpu.memref_squeeze %dma_start3A_39 : memref<1x128x128xf32, #tpu.memory_space<hbm>> -> memref<128x128xf32, #tpu.memory_space<hbm>>
      %dma_start3A_41 = arith.constant 0 : i32
      %dma_start3A_42 = tpu.memref_slice %arg6[%arg0, %add3A_26, %dma_start3A_41] : memref<2x10240x128xf32, #tpu.memory_space<hbm>> -> memref<1x128x128xf32, #tpu.memory_space<hbm>>
      %dma_start3A_43 = tpu.memref_squeeze %dma_start3A_42 : memref<1x128x128xf32, #tpu.memory_space<hbm>> -> memref<128x128xf32, #tpu.memory_space<hbm>>
      tpu.enqueue_dma source(%arg9 : memref<128x128xf32, #tpu.memory_space<vmem>>) target(%dma_start3A_43 : memref<128x128xf32, #tpu.memory_space<hbm>>) target_semaphore(%run_scoped3A : memref<!tpu.dma_semaphore, #tpu.memory_space<semaphore_mem>>)
      %dma_wait3A = arith.constant 0 : i32
      %dma_wait3A_44 = tpu.memref_slice %arg6[%arg0, %add3A_26, %dma_wait3A] : memref<2x10240x128xf32, #tpu.memory_space<hbm>> -> memref<1x128x128xf32, #tpu.memory_space<hbm>>
      %dma_wait3A_45 = tpu.memref_squeeze %dma_wait3A_44 : memref<1x128x128xf32, #tpu.memory_space<hbm>> -> memref<128x128xf32, #tpu.memory_space<hbm>>
      %dma_wait3A_46 = arith.constant 0 : i32
      %dma_wait3A_47 = tpu.memref_slice %arg6[%arg0, %add3A_26, %dma_wait3A_46] : memref<2x10240x128xf32, #tpu.memory_space<hbm>> -> memref<1x128x128xf32, #tpu.memory_space<hbm>>
      %dma_wait3A_48 = tpu.memref_squeeze %dma_wait3A_47 : memref<1x128x128xf32, #tpu.memory_space<hbm>> -> memref<128x128xf32, #tpu.memory_space<hbm>>
      tpu.wait_dma2 semaphore(%run_scoped3A : memref<!tpu.dma_semaphore, #tpu.memory_space<semaphore_mem>>) src(%arg9 : memref<128x128xf32, #tpu.memory_space<vmem>>) dst(%dma_wait3A_48 : memref<128x128xf32, #tpu.memory_space<hbm>>)
      tpu.yield
    }) : () -> ()
    %add3A_27 = arith.constant 256 : i32
    %add3A_28 = arith.addi %mul3A_0, %add3A_27 : i32
    "tpu.region"() ({
      %run_scoped3A = tpu.sem_alloc : memref<!tpu.dma_semaphore, #tpu.memory_space<semaphore_mem>>
      %dma_start3A = arith.constant 0 : i32
      %dma_start3A_39 = tpu.memref_slice %arg11[%add3A_28, %dma_start3A] : memref<10240x128xf32, #tpu.memory_space<vmem_shared>> -> memref<128x128xf32, #tpu.memory_space<vmem_shared>>
      %dma_start3A_40 = arith.constant 0 : i32
      %dma_start3A_41 = tpu.memref_slice %arg11[%add3A_28, %dma_start3A_40] : memref<10240x128xf32, #tpu.memory_space<vmem_shared>> -> memref<128x128xf32, #tpu.memory_space<vmem_shared>>
      tpu.enqueue_dma source(%dma_start3A_41 : memref<128x128xf32, #tpu.memory_space<vmem_shared>>) target(%arg9 : memref<128x128xf32, #tpu.memory_space<vmem>>) target_semaphore(%run_scoped3A : memref<!tpu.dma_semaphore, #tpu.memory_space<semaphore_mem>>)
      %dma_wait3A = arith.constant 0 : i32
      %dma_wait3A_42 = tpu.memref_slice %arg11[%add3A_28, %dma_wait3A] : memref<10240x128xf32, #tpu.memory_space<vmem_shared>> -> memref<128x128xf32, #tpu.memory_space<vmem_shared>>
      %dma_wait3A_43 = arith.constant 0 : i32
      %dma_wait3A_44 = tpu.memref_slice %arg11[%add3A_28, %dma_wait3A_43] : memref<10240x128xf32, #tpu.memory_space<vmem_shared>> -> memref<128x128xf32, #tpu.memory_space<vmem_shared>>
      tpu.wait_dma2 semaphore(%run_scoped3A : memref<!tpu.dma_semaphore, #tpu.memory_space<semaphore_mem>>) src(%dma_wait3A_44 : memref<128x128xf32, #tpu.memory_space<vmem_shared>>) dst(%arg9 : memref<128x128xf32, #tpu.memory_space<vmem>>)
      tpu.yield
    }) : () -> ()
    %add3A_29 = arith.constant 256 : i32
    %add3A_30 = arith.addi %mul3A_0, %add3A_29 : i32
    "tpu.region"() ({
      %run_scoped3A = tpu.sem_alloc : memref<!tpu.dma_semaphore, #tpu.memory_space<semaphore_mem>>
      %dma_start3A = arith.constant 0 : i32
      %dma_start3A_39 = tpu.memref_slice %arg6[%arg0, %add3A_30, %dma_start3A] : memref<2x10240x128xf32, #tpu.memory_space<hbm>> -> memref<1x128x128xf32, #tpu.memory_space<hbm>>
      %dma_start3A_40 = tpu.memref_squeeze %dma_start3A_39 : memref<1x128x128xf32, #tpu.memory_space<hbm>> -> memref<128x128xf32, #tpu.memory_space<hbm>>
      %dma_start3A_41 = arith.constant 0 : i32
      %dma_start3A_42 = tpu.memref_slice %arg6[%arg0, %add3A_30, %dma_start3A_41] : memref<2x10240x128xf32, #tpu.memory_space<hbm>> -> memref<1x128x128xf32, #tpu.memory_space<hbm>>
      %dma_start3A_43 = tpu.memref_squeeze %dma_start3A_42 : memref<1x128x128xf32, #tpu.memory_space<hbm>> -> memref<128x128xf32, #tpu.memory_space<hbm>>
      tpu.enqueue_dma source(%arg9 : memref<128x128xf32, #tpu.memory_space<vmem>>) target(%dma_start3A_43 : memref<128x128xf32, #tpu.memory_space<hbm>>) target_semaphore(%run_scoped3A : memref<!tpu.dma_semaphore, #tpu.memory_space<semaphore_mem>>)
      %dma_wait3A = arith.constant 0 : i32
      %dma_wait3A_44 = tpu.memref_slice %arg6[%arg0, %add3A_30, %dma_wait3A] : memref<2x10240x128xf32, #tpu.memory_space<hbm>> -> memref<1x128x128xf32, #tpu.memory_space<hbm>>
      %dma_wait3A_45 = tpu.memref_squeeze %dma_wait3A_44 : memref<1x128x128xf32, #tpu.memory_space<hbm>> -> memref<128x128xf32, #tpu.memory_space<hbm>>
      %dma_wait3A_46 = arith.constant 0 : i32
      %dma_wait3A_47 = tpu.memref_slice %arg6[%arg0, %add3A_30, %dma_wait3A_46] : memref<2x10240x128xf32, #tpu.memory_space<hbm>> -> memref<1x128x128xf32, #tpu.memory_space<hbm>>
      %dma_wait3A_48 = tpu.memref_squeeze %dma_wait3A_47 : memref<1x128x128xf32, #tpu.memory_space<hbm>> -> memref<128x128xf32, #tpu.memory_space<hbm>>
      tpu.wait_dma2 semaphore(%run_scoped3A : memref<!tpu.dma_semaphore, #tpu.memory_space<semaphore_mem>>) src(%arg9 : memref<128x128xf32, #tpu.memory_space<vmem>>) dst(%dma_wait3A_48 : memref<128x128xf32, #tpu.memory_space<hbm>>)
      tpu.yield
    }) : () -> ()
    %add3A_31 = arith.constant 384 : i32
    %add3A_32 = arith.addi %mul3A_0, %add3A_31 : i32
    "tpu.region"() ({
      %run_scoped3A = tpu.sem_alloc : memref<!tpu.dma_semaphore, #tpu.memory_space<semaphore_mem>>
      %dma_start3A = arith.constant 0 : i32
      %dma_start3A_39 = tpu.memref_slice %arg11[%add3A_32, %dma_start3A] : memref<10240x128xf32, #tpu.memory_space<vmem_shared>> -> memref<128x128xf32, #tpu.memory_space<vmem_shared>>
      %dma_start3A_40 = arith.constant 0 : i32
      %dma_start3A_41 = tpu.memref_slice %arg11[%add3A_32, %dma_start3A_40] : memref<10240x128xf32, #tpu.memory_space<vmem_shared>> -> memref<128x128xf32, #tpu.memory_space<vmem_shared>>
      tpu.enqueue_dma source(%dma_start3A_41 : memref<128x128xf32, #tpu.memory_space<vmem_shared>>) target(%arg9 : memref<128x128xf32, #tpu.memory_space<vmem>>) target_semaphore(%run_scoped3A : memref<!tpu.dma_semaphore, #tpu.memory_space<semaphore_mem>>)
      %dma_wait3A = arith.constant 0 : i32
      %dma_wait3A_42 = tpu.memref_slice %arg11[%add3A_32, %dma_wait3A] : memref<10240x128xf32, #tpu.memory_space<vmem_shared>> -> memref<128x128xf32, #tpu.memory_space<vmem_shared>>
      %dma_wait3A_43 = arith.constant 0 : i32
      %dma_wait3A_44 = tpu.memref_slice %arg11[%add3A_32, %dma_wait3A_43] : memref<10240x128xf32, #tpu.memory_space<vmem_shared>> -> memref<128x128xf32, #tpu.memory_space<vmem_shared>>
      tpu.wait_dma2 semaphore(%run_scoped3A : memref<!tpu.dma_semaphore, #tpu.memory_space<semaphore_mem>>) src(%dma_wait3A_44 : memref<128x128xf32, #tpu.memory_space<vmem_shared>>) dst(%arg9 : memref<128x128xf32, #tpu.memory_space<vmem>>)
      tpu.yield
    }) : () -> ()
    %add3A_33 = arith.constant 384 : i32
    %add3A_34 = arith.addi %mul3A_0, %add3A_33 : i32
    "tpu.region"() ({
      %run_scoped3A = tpu.sem_alloc : memref<!tpu.dma_semaphore, #tpu.memory_space<semaphore_mem>>
      %dma_start3A = arith.constant 0 : i32
      %dma_start3A_39 = tpu.memref_slice %arg6[%arg0, %add3A_34, %dma_start3A] : memref<2x10240x128xf32, #tpu.memory_space<hbm>> -> memref<1x128x128xf32, #tpu.memory_space<hbm>>
      %dma_start3A_40 = tpu.memref_squeeze %dma_start3A_39 : memref<1x128x128xf32, #tpu.memory_space<hbm>> -> memref<128x128xf32, #tpu.memory_space<hbm>>
      %dma_start3A_41 = arith.constant 0 : i32
      %dma_start3A_42 = tpu.memref_slice %arg6[%arg0, %add3A_34, %dma_start3A_41] : memref<2x10240x128xf32, #tpu.memory_space<hbm>> -> memref<1x128x128xf32, #tpu.memory_space<hbm>>
      %dma_start3A_43 = tpu.memref_squeeze %dma_start3A_42 : memref<1x128x128xf32, #tpu.memory_space<hbm>> -> memref<128x128xf32, #tpu.memory_space<hbm>>
      tpu.enqueue_dma source(%arg9 : memref<128x128xf32, #tpu.memory_space<vmem>>) target(%dma_start3A_43 : memref<128x128xf32, #tpu.memory_space<hbm>>) target_semaphore(%run_scoped3A : memref<!tpu.dma_semaphore, #tpu.memory_space<semaphore_mem>>)
      %dma_wait3A = arith.constant 0 : i32
      %dma_wait3A_44 = tpu.memref_slice %arg6[%arg0, %add3A_34, %dma_wait3A] : memref<2x10240x128xf32, #tpu.memory_space<hbm>> -> memref<1x128x128xf32, #tpu.memory_space<hbm>>
      %dma_wait3A_45 = tpu.memref_squeeze %dma_wait3A_44 : memref<1x128x128xf32, #tpu.memory_space<hbm>> -> memref<128x128xf32, #tpu.memory_space<hbm>>
      %dma_wait3A_46 = arith.constant 0 : i32
      %dma_wait3A_47 = tpu.memref_slice %arg6[%arg0, %add3A_34, %dma_wait3A_46] : memref<2x10240x128xf32, #tpu.memory_space<hbm>> -> memref<1x128x128xf32, #tpu.memory_space<hbm>>
      %dma_wait3A_48 = tpu.memref_squeeze %dma_wait3A_47 : memref<1x128x128xf32, #tpu.memory_space<hbm>> -> memref<128x128xf32, #tpu.memory_space<hbm>>
      tpu.wait_dma2 semaphore(%run_scoped3A : memref<!tpu.dma_semaphore, #tpu.memory_space<semaphore_mem>>) src(%arg9 : memref<128x128xf32, #tpu.memory_space<vmem>>) dst(%dma_wait3A_48 : memref<128x128xf32, #tpu.memory_space<hbm>>)
      tpu.yield
    }) : () -> ()
    %add3A_35 = arith.constant 512 : i32
    %add3A_36 = arith.addi %mul3A_0, %add3A_35 : i32
    "tpu.region"() ({
      %run_scoped3A = tpu.sem_alloc : memref<!tpu.dma_semaphore, #tpu.memory_space<semaphore_mem>>
      %dma_start3A = arith.constant 0 : i32
      %dma_start3A_39 = tpu.memref_slice %arg11[%add3A_36, %dma_start3A] : memref<10240x128xf32, #tpu.memory_space<vmem_shared>> -> memref<128x128xf32, #tpu.memory_space<vmem_shared>>
      %dma_start3A_40 = arith.constant 0 : i32
      %dma_start3A_41 = tpu.memref_slice %arg11[%add3A_36, %dma_start3A_40] : memref<10240x128xf32, #tpu.memory_space<vmem_shared>> -> memref<128x128xf32, #tpu.memory_space<vmem_shared>>
      tpu.enqueue_dma source(%dma_start3A_41 : memref<128x128xf32, #tpu.memory_space<vmem_shared>>) target(%arg9 : memref<128x128xf32, #tpu.memory_space<vmem>>) target_semaphore(%run_scoped3A : memref<!tpu.dma_semaphore, #tpu.memory_space<semaphore_mem>>)
      %dma_wait3A = arith.constant 0 : i32
      %dma_wait3A_42 = tpu.memref_slice %arg11[%add3A_36, %dma_wait3A] : memref<10240x128xf32, #tpu.memory_space<vmem_shared>> -> memref<128x128xf32, #tpu.memory_space<vmem_shared>>
      %dma_wait3A_43 = arith.constant 0 : i32
      %dma_wait3A_44 = tpu.memref_slice %arg11[%add3A_36, %dma_wait3A_43] : memref<10240x128xf32, #tpu.memory_space<vmem_shared>> -> memref<128x128xf32, #tpu.memory_space<vmem_shared>>
      tpu.wait_dma2 semaphore(%run_scoped3A : memref<!tpu.dma_semaphore, #tpu.memory_space<semaphore_mem>>) src(%dma_wait3A_44 : memref<128x128xf32, #tpu.memory_space<vmem_shared>>) dst(%arg9 : memref<128x128xf32, #tpu.memory_space<vmem>>)
      tpu.yield
    }) : () -> ()
    %add3A_37 = arith.constant 512 : i32
    %add3A_38 = arith.addi %mul3A_0, %add3A_37 : i32
    "tpu.region"() ({
      %run_scoped3A = tpu.sem_alloc : memref<!tpu.dma_semaphore, #tpu.memory_space<semaphore_mem>>
      %dma_start3A = arith.constant 0 : i32
      %dma_start3A_39 = tpu.memref_slice %arg6[%arg0, %add3A_38, %dma_start3A] : memref<2x10240x128xf32, #tpu.memory_space<hbm>> -> memref<1x128x128xf32, #tpu.memory_space<hbm>>
      %dma_start3A_40 = tpu.memref_squeeze %dma_start3A_39 : memref<1x128x128xf32, #tpu.memory_space<hbm>> -> memref<128x128xf32, #tpu.memory_space<hbm>>
      %dma_start3A_41 = arith.constant 0 : i32
      %dma_start3A_42 = tpu.memref_slice %arg6[%arg0, %add3A_38, %dma_start3A_41] : memref<2x10240x128xf32, #tpu.memory_space<hbm>> -> memref<1x128x128xf32, #tpu.memory_space<hbm>>
      %dma_start3A_43 = tpu.memref_squeeze %dma_start3A_42 : memref<1x128x128xf32, #tpu.memory_space<hbm>> -> memref<128x128xf32, #tpu.memory_space<hbm>>
      tpu.enqueue_dma source(%arg9 : memref<128x128xf32, #tpu.memory_space<vmem>>) target(%dma_start3A_43 : memref<128x128xf32, #tpu.memory_space<hbm>>) target_semaphore(%run_scoped3A : memref<!tpu.dma_semaphore, #tpu.memory_space<semaphore_mem>>)
      %dma_wait3A = arith.constant 0 : i32
      %dma_wait3A_44 = tpu.memref_slice %arg6[%arg0, %add3A_38, %dma_wait3A] : memref<2x10240x128xf32, #tpu.memory_space<hbm>> -> memref<1x128x128xf32, #tpu.memory_space<hbm>>
      %dma_wait3A_45 = tpu.memref_squeeze %dma_wait3A_44 : memref<1x128x128xf32, #tpu.memory_space<hbm>> -> memref<128x128xf32, #tpu.memory_space<hbm>>
      %dma_wait3A_46 = arith.constant 0 : i32
      %dma_wait3A_47 = tpu.memref_slice %arg6[%arg0, %add3A_38, %dma_wait3A_46] : memref<2x10240x128xf32, #tpu.memory_space<hbm>> -> memref<1x128x128xf32, #tpu.memory_space<hbm>>
      %dma_wait3A_48 = tpu.memref_squeeze %dma_wait3A_47 : memref<1x128x128xf32, #tpu.memory_space<hbm>> -> memref<128x128xf32, #tpu.memory_space<hbm>>
      tpu.wait_dma2 semaphore(%run_scoped3A : memref<!tpu.dma_semaphore, #tpu.memory_space<semaphore_mem>>) src(%arg9 : memref<128x128xf32, #tpu.memory_space<vmem>>) dst(%dma_wait3A_48 : memref<128x128xf32, #tpu.memory_space<hbm>>)
      tpu.yield
    }) : () -> ()
    return
  }
}

#map = affine_map<(d0, d1) -> (0)>
#map1 = affine_map<(d0, d1) -> (0, 0)>
module attributes {stable_mosaic.version = 14 : i64} {
  func.func @_hist_body(%arg0: i32, %arg1: i32, %arg2: memref<323584xi32, #tpu.memory_space<hbm>>, %arg3: memref<128xf32, #tpu.memory_space<hbm>>, %arg4: memref<128xf32, #tpu.memory_space<hbm>>, %arg5: memref<2x10240xf32, #tpu.memory_space<hbm>>, %arg6: memref<128xi32, #tpu.memory_space<vmem>>, %arg7: memref<128xf32, #tpu.memory_space<vmem>>, %arg8: memref<128xf32, #tpu.memory_space<vmem>>, %arg9: memref<640xf32, #tpu.memory_space<vmem>>, %arg10: memref<10240xf32, #tpu.memory_space<vmem_shared>>) attributes {dimension_semantics = [#tpu.dimension_semantics<core_parallel>, #tpu.dimension_semantics<subcore_parallel>], iteration_bounds = array<i64: 2, 16>, scalar_prefetch = 0 : i64, scratch_operands = 5 : i64, tpu.core_type = #tpu.core_type<sc_vector_subcore>, window_params = [{transform_indices = #map}, {transform_indices = #map}, {transform_indices = #map}, {transform_indices = #map1}]} {
    %mul3A = arith.constant 640 : i32
    %mul3A_0 = arith.muli %arg1, %mul3A : i32
    "tpu.region"() ({
      %run_scoped3A = tpu.sem_alloc : memref<!tpu.dma_semaphore, #tpu.memory_space<semaphore_mem>>
      tpu.enqueue_dma source(%arg3 : memref<128xf32, #tpu.memory_space<hbm>>) target(%arg7 : memref<128xf32, #tpu.memory_space<vmem>>) target_semaphore(%run_scoped3A : memref<!tpu.dma_semaphore, #tpu.memory_space<semaphore_mem>>)
      tpu.wait_dma2 semaphore(%run_scoped3A : memref<!tpu.dma_semaphore, #tpu.memory_space<semaphore_mem>>) src(%arg3 : memref<128xf32, #tpu.memory_space<hbm>>) dst(%arg7 : memref<128xf32, #tpu.memory_space<vmem>>)
      tpu.yield
    }) : () -> ()
    "tpu.region"() ({
      %run_scoped3A = tpu.sem_alloc : memref<!tpu.dma_semaphore, #tpu.memory_space<semaphore_mem>>
      tpu.enqueue_dma source(%arg4 : memref<128xf32, #tpu.memory_space<hbm>>) target(%arg8 : memref<128xf32, #tpu.memory_space<vmem>>) target_semaphore(%run_scoped3A : memref<!tpu.dma_semaphore, #tpu.memory_space<semaphore_mem>>)
      tpu.wait_dma2 semaphore(%run_scoped3A : memref<!tpu.dma_semaphore, #tpu.memory_space<semaphore_mem>>) src(%arg4 : memref<128xf32, #tpu.memory_space<hbm>>) dst(%arg8 : memref<128xf32, #tpu.memory_space<vmem>>)
      tpu.yield
    }) : () -> ()
    %add3A = arith.constant 0 : i32
    %add3A_1 = arith.addi %mul3A_0, %add3A : i32
    "tpu.region"() ({
      %run_scoped3A = tpu.sem_alloc : memref<!tpu.dma_semaphore, #tpu.memory_space<semaphore_mem>>
      %dma_start3A = tpu.memref_slice %arg10[%add3A_1] : memref<10240xf32, #tpu.memory_space<vmem_shared>> -> memref<128xf32, #tpu.memory_space<vmem_shared>>
      %dma_start3A_19 = tpu.memref_slice %arg10[%add3A_1] : memref<10240xf32, #tpu.memory_space<vmem_shared>> -> memref<128xf32, #tpu.memory_space<vmem_shared>>
      tpu.enqueue_dma source(%arg8 : memref<128xf32, #tpu.memory_space<vmem>>) target(%dma_start3A_19 : memref<128xf32, #tpu.memory_space<vmem_shared>>) target_semaphore(%run_scoped3A : memref<!tpu.dma_semaphore, #tpu.memory_space<semaphore_mem>>)
      %dma_wait3A = tpu.memref_slice %arg10[%add3A_1] : memref<10240xf32, #tpu.memory_space<vmem_shared>> -> memref<128xf32, #tpu.memory_space<vmem_shared>>
      %dma_wait3A_20 = tpu.memref_slice %arg10[%add3A_1] : memref<10240xf32, #tpu.memory_space<vmem_shared>> -> memref<128xf32, #tpu.memory_space<vmem_shared>>
      tpu.wait_dma2 semaphore(%run_scoped3A : memref<!tpu.dma_semaphore, #tpu.memory_space<semaphore_mem>>) src(%arg8 : memref<128xf32, #tpu.memory_space<vmem>>) dst(%dma_wait3A_20 : memref<128xf32, #tpu.memory_space<vmem_shared>>)
      tpu.yield
    }) : () -> ()
    %add3A_2 = arith.constant 128 : i32
    %add3A_3 = arith.addi %mul3A_0, %add3A_2 : i32
    "tpu.region"() ({
      %run_scoped3A = tpu.sem_alloc : memref<!tpu.dma_semaphore, #tpu.memory_space<semaphore_mem>>
      %dma_start3A = tpu.memref_slice %arg10[%add3A_3] : memref<10240xf32, #tpu.memory_space<vmem_shared>> -> memref<128xf32, #tpu.memory_space<vmem_shared>>
      %dma_start3A_19 = tpu.memref_slice %arg10[%add3A_3] : memref<10240xf32, #tpu.memory_space<vmem_shared>> -> memref<128xf32, #tpu.memory_space<vmem_shared>>
      tpu.enqueue_dma source(%arg8 : memref<128xf32, #tpu.memory_space<vmem>>) target(%dma_start3A_19 : memref<128xf32, #tpu.memory_space<vmem_shared>>) target_semaphore(%run_scoped3A : memref<!tpu.dma_semaphore, #tpu.memory_space<semaphore_mem>>)
      %dma_wait3A = tpu.memref_slice %arg10[%add3A_3] : memref<10240xf32, #tpu.memory_space<vmem_shared>> -> memref<128xf32, #tpu.memory_space<vmem_shared>>
      %dma_wait3A_20 = tpu.memref_slice %arg10[%add3A_3] : memref<10240xf32, #tpu.memory_space<vmem_shared>> -> memref<128xf32, #tpu.memory_space<vmem_shared>>
      tpu.wait_dma2 semaphore(%run_scoped3A : memref<!tpu.dma_semaphore, #tpu.memory_space<semaphore_mem>>) src(%arg8 : memref<128xf32, #tpu.memory_space<vmem>>) dst(%dma_wait3A_20 : memref<128xf32, #tpu.memory_space<vmem_shared>>)
      tpu.yield
    }) : () -> ()
    %add3A_4 = arith.constant 256 : i32
    %add3A_5 = arith.addi %mul3A_0, %add3A_4 : i32
    "tpu.region"() ({
      %run_scoped3A = tpu.sem_alloc : memref<!tpu.dma_semaphore, #tpu.memory_space<semaphore_mem>>
      %dma_start3A = tpu.memref_slice %arg10[%add3A_5] : memref<10240xf32, #tpu.memory_space<vmem_shared>> -> memref<128xf32, #tpu.memory_space<vmem_shared>>
      %dma_start3A_19 = tpu.memref_slice %arg10[%add3A_5] : memref<10240xf32, #tpu.memory_space<vmem_shared>> -> memref<128xf32, #tpu.memory_space<vmem_shared>>
      tpu.enqueue_dma source(%arg8 : memref<128xf32, #tpu.memory_space<vmem>>) target(%dma_start3A_19 : memref<128xf32, #tpu.memory_space<vmem_shared>>) target_semaphore(%run_scoped3A : memref<!tpu.dma_semaphore, #tpu.memory_space<semaphore_mem>>)
      %dma_wait3A = tpu.memref_slice %arg10[%add3A_5] : memref<10240xf32, #tpu.memory_space<vmem_shared>> -> memref<128xf32, #tpu.memory_space<vmem_shared>>
      %dma_wait3A_20 = tpu.memref_slice %arg10[%add3A_5] : memref<10240xf32, #tpu.memory_space<vmem_shared>> -> memref<128xf32, #tpu.memory_space<vmem_shared>>
      tpu.wait_dma2 semaphore(%run_scoped3A : memref<!tpu.dma_semaphore, #tpu.memory_space<semaphore_mem>>) src(%arg8 : memref<128xf32, #tpu.memory_space<vmem>>) dst(%dma_wait3A_20 : memref<128xf32, #tpu.memory_space<vmem_shared>>)
      tpu.yield
    }) : () -> ()
    %add3A_6 = arith.constant 384 : i32
    %add3A_7 = arith.addi %mul3A_0, %add3A_6 : i32
    "tpu.region"() ({
      %run_scoped3A = tpu.sem_alloc : memref<!tpu.dma_semaphore, #tpu.memory_space<semaphore_mem>>
      %dma_start3A = tpu.memref_slice %arg10[%add3A_7] : memref<10240xf32, #tpu.memory_space<vmem_shared>> -> memref<128xf32, #tpu.memory_space<vmem_shared>>
      %dma_start3A_19 = tpu.memref_slice %arg10[%add3A_7] : memref<10240xf32, #tpu.memory_space<vmem_shared>> -> memref<128xf32, #tpu.memory_space<vmem_shared>>
      tpu.enqueue_dma source(%arg8 : memref<128xf32, #tpu.memory_space<vmem>>) target(%dma_start3A_19 : memref<128xf32, #tpu.memory_space<vmem_shared>>) target_semaphore(%run_scoped3A : memref<!tpu.dma_semaphore, #tpu.memory_space<semaphore_mem>>)
      %dma_wait3A = tpu.memref_slice %arg10[%add3A_7] : memref<10240xf32, #tpu.memory_space<vmem_shared>> -> memref<128xf32, #tpu.memory_space<vmem_shared>>
      %dma_wait3A_20 = tpu.memref_slice %arg10[%add3A_7] : memref<10240xf32, #tpu.memory_space<vmem_shared>> -> memref<128xf32, #tpu.memory_space<vmem_shared>>
      tpu.wait_dma2 semaphore(%run_scoped3A : memref<!tpu.dma_semaphore, #tpu.memory_space<semaphore_mem>>) src(%arg8 : memref<128xf32, #tpu.memory_space<vmem>>) dst(%dma_wait3A_20 : memref<128xf32, #tpu.memory_space<vmem_shared>>)
      tpu.yield
    }) : () -> ()
    %add3A_8 = arith.constant 512 : i32
    %add3A_9 = arith.addi %mul3A_0, %add3A_8 : i32
    "tpu.region"() ({
      %run_scoped3A = tpu.sem_alloc : memref<!tpu.dma_semaphore, #tpu.memory_space<semaphore_mem>>
      %dma_start3A = tpu.memref_slice %arg10[%add3A_9] : memref<10240xf32, #tpu.memory_space<vmem_shared>> -> memref<128xf32, #tpu.memory_space<vmem_shared>>
      %dma_start3A_19 = tpu.memref_slice %arg10[%add3A_9] : memref<10240xf32, #tpu.memory_space<vmem_shared>> -> memref<128xf32, #tpu.memory_space<vmem_shared>>
      tpu.enqueue_dma source(%arg8 : memref<128xf32, #tpu.memory_space<vmem>>) target(%dma_start3A_19 : memref<128xf32, #tpu.memory_space<vmem_shared>>) target_semaphore(%run_scoped3A : memref<!tpu.dma_semaphore, #tpu.memory_space<semaphore_mem>>)
      %dma_wait3A = tpu.memref_slice %arg10[%add3A_9] : memref<10240xf32, #tpu.memory_space<vmem_shared>> -> memref<128xf32, #tpu.memory_space<vmem_shared>>
      %dma_wait3A_20 = tpu.memref_slice %arg10[%add3A_9] : memref<10240xf32, #tpu.memory_space<vmem_shared>> -> memref<128xf32, #tpu.memory_space<vmem_shared>>
      tpu.wait_dma2 semaphore(%run_scoped3A : memref<!tpu.dma_semaphore, #tpu.memory_space<semaphore_mem>>) src(%arg8 : memref<128xf32, #tpu.memory_space<vmem>>) dst(%dma_wait3A_20 : memref<128xf32, #tpu.memory_space<vmem_shared>>)
      tpu.yield
    }) : () -> ()
    %barrier3A = arith.constant 0 : index
    tpu.barrier barrier_id(%barrier3A)
    %mul3A_10 = arith.constant 16 : i32
    %mul3A_11 = arith.muli %arg0, %mul3A_10 : i32
    %add3A_12 = arith.addi %mul3A_11, %arg1 : i32
    %scan3A = arith.constant 0 : i32
    %scan3A_13 = arith.constant 0 : i32
    %scan3A_14 = arith.constant 79 : i32
    %scan3A_15 = arith.addi %scan3A_13, %scan3A_14 : i32
    %scan3A_16 = arith.constant 1 : i32
    scf.for %scan3A_19 = %scan3A_13 to %scan3A_15 step %scan3A_16  : i32 {
      %mul3A_20 = arith.constant 10112 : i32
      %mul3A_21 = arith.muli %add3A_12, %mul3A_20 : i32
      %mul3A_22 = arith.constant 128 : i32
      %mul3A_23 = arith.muli %scan3A_19, %mul3A_22 : i32
      %add3A_24 = arith.addi %mul3A_21, %mul3A_23 : i32
      "tpu.region"() ({
        %run_scoped3A = tpu.sem_alloc : memref<!tpu.dma_semaphore, #tpu.memory_space<semaphore_mem>>
        %dma_start3A = tpu.memref_slice %arg2[%add3A_24] : memref<323584xi32, #tpu.memory_space<hbm>> -> memref<128xi32, #tpu.memory_space<hbm>>
        %dma_start3A_25 = tpu.memref_slice %arg2[%add3A_24] : memref<323584xi32, #tpu.memory_space<hbm>> -> memref<128xi32, #tpu.memory_space<hbm>>
        tpu.enqueue_dma source(%dma_start3A_25 : memref<128xi32, #tpu.memory_space<hbm>>) target(%arg6 : memref<128xi32, #tpu.memory_space<vmem>>) target_semaphore(%run_scoped3A : memref<!tpu.dma_semaphore, #tpu.memory_space<semaphore_mem>>)
        %dma_wait3A = tpu.memref_slice %arg2[%add3A_24] : memref<323584xi32, #tpu.memory_space<hbm>> -> memref<128xi32, #tpu.memory_space<hbm>>
        %dma_wait3A_26 = tpu.memref_slice %arg2[%add3A_24] : memref<323584xi32, #tpu.memory_space<hbm>> -> memref<128xi32, #tpu.memory_space<hbm>>
        tpu.wait_dma2 semaphore(%run_scoped3A : memref<!tpu.dma_semaphore, #tpu.memory_space<semaphore_mem>>) src(%dma_wait3A_26 : memref<128xi32, #tpu.memory_space<hbm>>) dst(%arg6 : memref<128xi32, #tpu.memory_space<vmem>>)
        tpu.yield
      }) : () -> ()
      "tpu.region"() ({
        %run_scoped3A = tpu.sem_alloc : memref<!tpu.dma_semaphore, #tpu.memory_space<semaphore_mem>>
        %dma_start3A = arith.constant 0 : i32
        %dma_start3A_25 = tpu.memref_slice %arg10[%dma_start3A] : memref<10240xf32, #tpu.memory_space<vmem_shared>> -> memref<10240xf32, #tpu.memory_space<vmem_shared>>
        tpu.enqueue_indirect_dma source(%arg7 : memref<128xf32, #tpu.memory_space<vmem>>) target(%dma_start3A_25 : memref<10240xf32, #tpu.memory_space<vmem_shared>>) offsets(%arg6 : memref<128xi32, #tpu.memory_space<vmem>>) semaphore(%run_scoped3A : memref<!tpu.dma_semaphore, #tpu.memory_space<semaphore_mem>>) {add = true}
        %dma_wait3A = arith.constant 0 : i32
        %dma_wait3A_26 = tpu.memref_slice %arg10[%dma_wait3A] : memref<10240xf32, #tpu.memory_space<vmem_shared>> -> memref<10240xf32, #tpu.memory_space<vmem_shared>>
        tpu.wait_indirect_dma semaphore(%run_scoped3A : memref<!tpu.dma_semaphore, #tpu.memory_space<semaphore_mem>>) src(%arg7 : memref<128xf32, #tpu.memory_space<vmem>>) dst(%dma_wait3A_26 : memref<10240xf32, #tpu.memory_space<vmem_shared>>)
        tpu.yield
      }) : () -> ()
    }
    %scan3A_17 = arith.constant 79 : i32
    %barrier3A_18 = arith.constant 0 : index
    tpu.barrier barrier_id(%barrier3A_18)
    "tpu.region"() ({
      %run_scoped3A = tpu.sem_alloc : memref<!tpu.dma_semaphore, #tpu.memory_space<semaphore_mem>>
      %dma_start3A = tpu.memref_slice %arg10[%mul3A_0] : memref<10240xf32, #tpu.memory_space<vmem_shared>> -> memref<640xf32, #tpu.memory_space<vmem_shared>>
      %dma_start3A_19 = tpu.memref_slice %arg10[%mul3A_0] : memref<10240xf32, #tpu.memory_space<vmem_shared>> -> memref<640xf32, #tpu.memory_space<vmem_shared>>
      tpu.enqueue_dma source(%dma_start3A_19 : memref<640xf32, #tpu.memory_space<vmem_shared>>) target(%arg9 : memref<640xf32, #tpu.memory_space<vmem>>) target_semaphore(%run_scoped3A : memref<!tpu.dma_semaphore, #tpu.memory_space<semaphore_mem>>)
      %dma_wait3A = tpu.memref_slice %arg10[%mul3A_0] : memref<10240xf32, #tpu.memory_space<vmem_shared>> -> memref<640xf32, #tpu.memory_space<vmem_shared>>
      %dma_wait3A_20 = tpu.memref_slice %arg10[%mul3A_0] : memref<10240xf32, #tpu.memory_space<vmem_shared>> -> memref<640xf32, #tpu.memory_space<vmem_shared>>
      tpu.wait_dma2 semaphore(%run_scoped3A : memref<!tpu.dma_semaphore, #tpu.memory_space<semaphore_mem>>) src(%dma_wait3A_20 : memref<640xf32, #tpu.memory_space<vmem_shared>>) dst(%arg9 : memref<640xf32, #tpu.memory_space<vmem>>)
      tpu.yield
    }) : () -> ()
    "tpu.region"() ({
      %run_scoped3A = tpu.sem_alloc : memref<!tpu.dma_semaphore, #tpu.memory_space<semaphore_mem>>
      %dma_start3A = tpu.memref_slice %arg5[%arg0, %mul3A_0] : memref<2x10240xf32, #tpu.memory_space<hbm>> -> memref<1x640xf32, #tpu.memory_space<hbm>>
      %dma_start3A_19 = tpu.memref_squeeze %dma_start3A : memref<1x640xf32, #tpu.memory_space<hbm>> -> memref<640xf32, #tpu.memory_space<hbm>>
      %dma_start3A_20 = tpu.memref_slice %arg5[%arg0, %mul3A_0] : memref<2x10240xf32, #tpu.memory_space<hbm>> -> memref<1x640xf32, #tpu.memory_space<hbm>>
      %dma_start3A_21 = tpu.memref_squeeze %dma_start3A_20 : memref<1x640xf32, #tpu.memory_space<hbm>> -> memref<640xf32, #tpu.memory_space<hbm>>
      tpu.enqueue_dma source(%arg9 : memref<640xf32, #tpu.memory_space<vmem>>) target(%dma_start3A_21 : memref<640xf32, #tpu.memory_space<hbm>>) target_semaphore(%run_scoped3A : memref<!tpu.dma_semaphore, #tpu.memory_space<semaphore_mem>>)
      %dma_wait3A = tpu.memref_slice %arg5[%arg0, %mul3A_0] : memref<2x10240xf32, #tpu.memory_space<hbm>> -> memref<1x640xf32, #tpu.memory_space<hbm>>
      %dma_wait3A_22 = tpu.memref_squeeze %dma_wait3A : memref<1x640xf32, #tpu.memory_space<hbm>> -> memref<640xf32, #tpu.memory_space<hbm>>
      %dma_wait3A_23 = tpu.memref_slice %arg5[%arg0, %mul3A_0] : memref<2x10240xf32, #tpu.memory_space<hbm>> -> memref<1x640xf32, #tpu.memory_space<hbm>>
      %dma_wait3A_24 = tpu.memref_squeeze %dma_wait3A_23 : memref<1x640xf32, #tpu.memory_space<hbm>> -> memref<640xf32, #tpu.memory_space<hbm>>
      tpu.wait_dma2 semaphore(%run_scoped3A : memref<!tpu.dma_semaphore, #tpu.memory_space<semaphore_mem>>) src(%arg9 : memref<640xf32, #tpu.memory_space<vmem>>) dst(%dma_wait3A_24 : memref<640xf32, #tpu.memory_space<hbm>>)
      tpu.yield
    }) : () -> ()
    return
  }
}

#map = affine_map<(d0, d1) -> (0, 0)>
#map1 = affine_map<(d0, d1) -> (0)>
#map2 = affine_map<(d0, d1) -> (0, 0, 0)>
module attributes {stable_mosaic.version = 14 : i64} {
  func.func @_scatter_body(%arg0: i32, %arg1: i32, %arg2: memref<10000x128xf32, #tpu.memory_space<hbm>>, %arg3: memref<323584xi32, #tpu.memory_space<hbm>>, %arg4: memref<323584xi32, #tpu.memory_space<hbm>>, %arg5: memref<128x128xf32, #tpu.memory_space<hbm>>, %arg6: memref<2x10240x128xf32, #tpu.memory_space<hbm>>, %arg7: memref<128xi32, #tpu.memory_space<vmem>>, %arg8: memref<128xi32, #tpu.memory_space<vmem>>, %arg9: memref<128x128xf32, #tpu.memory_space<vmem>>, %arg10: memref<!tpu.dma_semaphore, #tpu.memory_space<semaphore_mem>>, %arg11: memref<10240x128xf32, #tpu.memory_space<vmem_shared>>) attributes {dimension_semantics = [#tpu.dimension_semantics<core_parallel>, #tpu.dimension_semantics<subcore_parallel>], iteration_bounds = array<i64: 2, 16>, scalar_prefetch = 0 : i64, scratch_operands = 5 : i64, tpu.core_type = #tpu.core_type<sc_vector_subcore>, window_params = [{transform_indices = #map}, {transform_indices = #map1}, {transform_indices = #map1}, {transform_indices = #map}, {transform_indices = #map2}]} {
    %mul3A = arith.constant 640 : i32
    %mul3A_0 = arith.muli %arg1, %mul3A : i32
    "tpu.region"() ({
      %run_scoped3A = tpu.sem_alloc : memref<!tpu.dma_semaphore, #tpu.memory_space<semaphore_mem>>
      tpu.enqueue_dma source(%arg5 : memref<128x128xf32, #tpu.memory_space<hbm>>) target(%arg9 : memref<128x128xf32, #tpu.memory_space<vmem>>) target_semaphore(%run_scoped3A : memref<!tpu.dma_semaphore, #tpu.memory_space<semaphore_mem>>)
      tpu.wait_dma2 semaphore(%run_scoped3A : memref<!tpu.dma_semaphore, #tpu.memory_space<semaphore_mem>>) src(%arg5 : memref<128x128xf32, #tpu.memory_space<hbm>>) dst(%arg9 : memref<128x128xf32, #tpu.memory_space<vmem>>)
      tpu.yield
    }) : () -> ()
    %add3A = arith.constant 0 : i32
    %add3A_1 = arith.addi %mul3A_0, %add3A : i32
    "tpu.region"() ({
      %run_scoped3A = tpu.sem_alloc : memref<!tpu.dma_semaphore, #tpu.memory_space<semaphore_mem>>
      %dma_start3A = arith.constant 0 : i32
      %dma_start3A_39 = tpu.memref_slice %arg11[%add3A_1, %dma_start3A] : memref<10240x128xf32, #tpu.memory_space<vmem_shared>> -> memref<128x128xf32, #tpu.memory_space<vmem_shared>>
      %dma_start3A_40 = arith.constant 0 : i32
      %dma_start3A_41 = tpu.memref_slice %arg11[%add3A_1, %dma_start3A_40] : memref<10240x128xf32, #tpu.memory_space<vmem_shared>> -> memref<128x128xf32, #tpu.memory_space<vmem_shared>>
      tpu.enqueue_dma source(%arg9 : memref<128x128xf32, #tpu.memory_space<vmem>>) target(%dma_start3A_41 : memref<128x128xf32, #tpu.memory_space<vmem_shared>>) target_semaphore(%run_scoped3A : memref<!tpu.dma_semaphore, #tpu.memory_space<semaphore_mem>>)
      %dma_wait3A = arith.constant 0 : i32
      %dma_wait3A_42 = tpu.memref_slice %arg11[%add3A_1, %dma_wait3A] : memref<10240x128xf32, #tpu.memory_space<vmem_shared>> -> memref<128x128xf32, #tpu.memory_space<vmem_shared>>
      %dma_wait3A_43 = arith.constant 0 : i32
      %dma_wait3A_44 = tpu.memref_slice %arg11[%add3A_1, %dma_wait3A_43] : memref<10240x128xf32, #tpu.memory_space<vmem_shared>> -> memref<128x128xf32, #tpu.memory_space<vmem_shared>>
      tpu.wait_dma2 semaphore(%run_scoped3A : memref<!tpu.dma_semaphore, #tpu.memory_space<semaphore_mem>>) src(%arg9 : memref<128x128xf32, #tpu.memory_space<vmem>>) dst(%dma_wait3A_44 : memref<128x128xf32, #tpu.memory_space<vmem_shared>>)
      tpu.yield
    }) : () -> ()
    %add3A_2 = arith.constant 128 : i32
    %add3A_3 = arith.addi %mul3A_0, %add3A_2 : i32
    "tpu.region"() ({
      %run_scoped3A = tpu.sem_alloc : memref<!tpu.dma_semaphore, #tpu.memory_space<semaphore_mem>>
      %dma_start3A = arith.constant 0 : i32
      %dma_start3A_39 = tpu.memref_slice %arg11[%add3A_3, %dma_start3A] : memref<10240x128xf32, #tpu.memory_space<vmem_shared>> -> memref<128x128xf32, #tpu.memory_space<vmem_shared>>
      %dma_start3A_40 = arith.constant 0 : i32
      %dma_start3A_41 = tpu.memref_slice %arg11[%add3A_3, %dma_start3A_40] : memref<10240x128xf32, #tpu.memory_space<vmem_shared>> -> memref<128x128xf32, #tpu.memory_space<vmem_shared>>
      tpu.enqueue_dma source(%arg9 : memref<128x128xf32, #tpu.memory_space<vmem>>) target(%dma_start3A_41 : memref<128x128xf32, #tpu.memory_space<vmem_shared>>) target_semaphore(%run_scoped3A : memref<!tpu.dma_semaphore, #tpu.memory_space<semaphore_mem>>)
      %dma_wait3A = arith.constant 0 : i32
      %dma_wait3A_42 = tpu.memref_slice %arg11[%add3A_3, %dma_wait3A] : memref<10240x128xf32, #tpu.memory_space<vmem_shared>> -> memref<128x128xf32, #tpu.memory_space<vmem_shared>>
      %dma_wait3A_43 = arith.constant 0 : i32
      %dma_wait3A_44 = tpu.memref_slice %arg11[%add3A_3, %dma_wait3A_43] : memref<10240x128xf32, #tpu.memory_space<vmem_shared>> -> memref<128x128xf32, #tpu.memory_space<vmem_shared>>
      tpu.wait_dma2 semaphore(%run_scoped3A : memref<!tpu.dma_semaphore, #tpu.memory_space<semaphore_mem>>) src(%arg9 : memref<128x128xf32, #tpu.memory_space<vmem>>) dst(%dma_wait3A_44 : memref<128x128xf32, #tpu.memory_space<vmem_shared>>)
      tpu.yield
    }) : () -> ()
    %add3A_4 = arith.constant 256 : i32
    %add3A_5 = arith.addi %mul3A_0, %add3A_4 : i32
    "tpu.region"() ({
      %run_scoped3A = tpu.sem_alloc : memref<!tpu.dma_semaphore, #tpu.memory_space<semaphore_mem>>
      %dma_start3A = arith.constant 0 : i32
      %dma_start3A_39 = tpu.memref_slice %arg11[%add3A_5, %dma_start3A] : memref<10240x128xf32, #tpu.memory_space<vmem_shared>> -> memref<128x128xf32, #tpu.memory_space<vmem_shared>>
      %dma_start3A_40 = arith.constant 0 : i32
      %dma_start3A_41 = tpu.memref_slice %arg11[%add3A_5, %dma_start3A_40] : memref<10240x128xf32, #tpu.memory_space<vmem_shared>> -> memref<128x128xf32, #tpu.memory_space<vmem_shared>>
      tpu.enqueue_dma source(%arg9 : memref<128x128xf32, #tpu.memory_space<vmem>>) target(%dma_start3A_41 : memref<128x128xf32, #tpu.memory_space<vmem_shared>>) target_semaphore(%run_scoped3A : memref<!tpu.dma_semaphore, #tpu.memory_space<semaphore_mem>>)
      %dma_wait3A = arith.constant 0 : i32
      %dma_wait3A_42 = tpu.memref_slice %arg11[%add3A_5, %dma_wait3A] : memref<10240x128xf32, #tpu.memory_space<vmem_shared>> -> memref<128x128xf32, #tpu.memory_space<vmem_shared>>
      %dma_wait3A_43 = arith.constant 0 : i32
      %dma_wait3A_44 = tpu.memref_slice %arg11[%add3A_5, %dma_wait3A_43] : memref<10240x128xf32, #tpu.memory_space<vmem_shared>> -> memref<128x128xf32, #tpu.memory_space<vmem_shared>>
      tpu.wait_dma2 semaphore(%run_scoped3A : memref<!tpu.dma_semaphore, #tpu.memory_space<semaphore_mem>>) src(%arg9 : memref<128x128xf32, #tpu.memory_space<vmem>>) dst(%dma_wait3A_44 : memref<128x128xf32, #tpu.memory_space<vmem_shared>>)
      tpu.yield
    }) : () -> ()
    %add3A_6 = arith.constant 384 : i32
    %add3A_7 = arith.addi %mul3A_0, %add3A_6 : i32
    "tpu.region"() ({
      %run_scoped3A = tpu.sem_alloc : memref<!tpu.dma_semaphore, #tpu.memory_space<semaphore_mem>>
      %dma_start3A = arith.constant 0 : i32
      %dma_start3A_39 = tpu.memref_slice %arg11[%add3A_7, %dma_start3A] : memref<10240x128xf32, #tpu.memory_space<vmem_shared>> -> memref<128x128xf32, #tpu.memory_space<vmem_shared>>
      %dma_start3A_40 = arith.constant 0 : i32
      %dma_start3A_41 = tpu.memref_slice %arg11[%add3A_7, %dma_start3A_40] : memref<10240x128xf32, #tpu.memory_space<vmem_shared>> -> memref<128x128xf32, #tpu.memory_space<vmem_shared>>
      tpu.enqueue_dma source(%arg9 : memref<128x128xf32, #tpu.memory_space<vmem>>) target(%dma_start3A_41 : memref<128x128xf32, #tpu.memory_space<vmem_shared>>) target_semaphore(%run_scoped3A : memref<!tpu.dma_semaphore, #tpu.memory_space<semaphore_mem>>)
      %dma_wait3A = arith.constant 0 : i32
      %dma_wait3A_42 = tpu.memref_slice %arg11[%add3A_7, %dma_wait3A] : memref<10240x128xf32, #tpu.memory_space<vmem_shared>> -> memref<128x128xf32, #tpu.memory_space<vmem_shared>>
      %dma_wait3A_43 = arith.constant 0 : i32
      %dma_wait3A_44 = tpu.memref_slice %arg11[%add3A_7, %dma_wait3A_43] : memref<10240x128xf32, #tpu.memory_space<vmem_shared>> -> memref<128x128xf32, #tpu.memory_space<vmem_shared>>
      tpu.wait_dma2 semaphore(%run_scoped3A : memref<!tpu.dma_semaphore, #tpu.memory_space<semaphore_mem>>) src(%arg9 : memref<128x128xf32, #tpu.memory_space<vmem>>) dst(%dma_wait3A_44 : memref<128x128xf32, #tpu.memory_space<vmem_shared>>)
      tpu.yield
    }) : () -> ()
    %add3A_8 = arith.constant 512 : i32
    %add3A_9 = arith.addi %mul3A_0, %add3A_8 : i32
    "tpu.region"() ({
      %run_scoped3A = tpu.sem_alloc : memref<!tpu.dma_semaphore, #tpu.memory_space<semaphore_mem>>
      %dma_start3A = arith.constant 0 : i32
      %dma_start3A_39 = tpu.memref_slice %arg11[%add3A_9, %dma_start3A] : memref<10240x128xf32, #tpu.memory_space<vmem_shared>> -> memref<128x128xf32, #tpu.memory_space<vmem_shared>>
      %dma_start3A_40 = arith.constant 0 : i32
      %dma_start3A_41 = tpu.memref_slice %arg11[%add3A_9, %dma_start3A_40] : memref<10240x128xf32, #tpu.memory_space<vmem_shared>> -> memref<128x128xf32, #tpu.memory_space<vmem_shared>>
      tpu.enqueue_dma source(%arg9 : memref<128x128xf32, #tpu.memory_space<vmem>>) target(%dma_start3A_41 : memref<128x128xf32, #tpu.memory_space<vmem_shared>>) target_semaphore(%run_scoped3A : memref<!tpu.dma_semaphore, #tpu.memory_space<semaphore_mem>>)
      %dma_wait3A = arith.constant 0 : i32
      %dma_wait3A_42 = tpu.memref_slice %arg11[%add3A_9, %dma_wait3A] : memref<10240x128xf32, #tpu.memory_space<vmem_shared>> -> memref<128x128xf32, #tpu.memory_space<vmem_shared>>
      %dma_wait3A_43 = arith.constant 0 : i32
      %dma_wait3A_44 = tpu.memref_slice %arg11[%add3A_9, %dma_wait3A_43] : memref<10240x128xf32, #tpu.memory_space<vmem_shared>> -> memref<128x128xf32, #tpu.memory_space<vmem_shared>>
      tpu.wait_dma2 semaphore(%run_scoped3A : memref<!tpu.dma_semaphore, #tpu.memory_space<semaphore_mem>>) src(%arg9 : memref<128x128xf32, #tpu.memory_space<vmem>>) dst(%dma_wait3A_44 : memref<128x128xf32, #tpu.memory_space<vmem_shared>>)
      tpu.yield
    }) : () -> ()
    %barrier3A = arith.constant 0 : index
    tpu.barrier barrier_id(%barrier3A)
    %mul3A_10 = arith.constant 16 : i32
    %mul3A_11 = arith.muli %arg0, %mul3A_10 : i32
    %add3A_12 = arith.addi %mul3A_11, %arg1 : i32
    %scan3A = arith.constant 0 : i32
    %scan3A_13 = arith.constant 0 : i32
    %scan3A_14 = arith.constant 79 : i32
    %scan3A_15 = arith.addi %scan3A_13, %scan3A_14 : i32
    %scan3A_16 = arith.constant 1 : i32
    scf.for %scan3A_39 = %scan3A_13 to %scan3A_15 step %scan3A_16  : i32 {
      %mul3A_40 = arith.constant 10112 : i32
      %mul3A_41 = arith.muli %add3A_12, %mul3A_40 : i32
      %mul3A_42 = arith.constant 128 : i32
      %mul3A_43 = arith.muli %scan3A_39, %mul3A_42 : i32
      %add3A_44 = arith.addi %mul3A_41, %mul3A_43 : i32
      "tpu.region"() ({
        %run_scoped3A = tpu.sem_alloc : memref<!tpu.dma_semaphore, #tpu.memory_space<semaphore_mem>>
        %dma_start3A_49 = tpu.memref_slice %arg3[%add3A_44] : memref<323584xi32, #tpu.memory_space<hbm>> -> memref<128xi32, #tpu.memory_space<hbm>>
        %dma_start3A_50 = tpu.memref_slice %arg3[%add3A_44] : memref<323584xi32, #tpu.memory_space<hbm>> -> memref<128xi32, #tpu.memory_space<hbm>>
        tpu.enqueue_dma source(%dma_start3A_50 : memref<128xi32, #tpu.memory_space<hbm>>) target(%arg7 : memref<128xi32, #tpu.memory_space<vmem>>) target_semaphore(%run_scoped3A : memref<!tpu.dma_semaphore, #tpu.memory_space<semaphore_mem>>)
        %dma_wait3A_51 = tpu.memref_slice %arg3[%add3A_44] : memref<323584xi32, #tpu.memory_space<hbm>> -> memref<128xi32, #tpu.memory_space<hbm>>
        %dma_wait3A_52 = tpu.memref_slice %arg3[%add3A_44] : memref<323584xi32, #tpu.memory_space<hbm>> -> memref<128xi32, #tpu.memory_space<hbm>>
        tpu.wait_dma2 semaphore(%run_scoped3A : memref<!tpu.dma_semaphore, #tpu.memory_space<semaphore_mem>>) src(%dma_wait3A_52 : memref<128xi32, #tpu.memory_space<hbm>>) dst(%arg7 : memref<128xi32, #tpu.memory_space<vmem>>)
        tpu.yield
      }) : () -> ()
      "tpu.region"() ({
        %run_scoped3A = tpu.sem_alloc : memref<!tpu.dma_semaphore, #tpu.memory_space<semaphore_mem>>
        %dma_start3A_49 = tpu.memref_slice %arg4[%add3A_44] : memref<323584xi32, #tpu.memory_space<hbm>> -> memref<128xi32, #tpu.memory_space<hbm>>
        %dma_start3A_50 = tpu.memref_slice %arg4[%add3A_44] : memref<323584xi32, #tpu.memory_space<hbm>> -> memref<128xi32, #tpu.memory_space<hbm>>
        tpu.enqueue_dma source(%dma_start3A_50 : memref<128xi32, #tpu.memory_space<hbm>>) target(%arg8 : memref<128xi32, #tpu.memory_space<vmem>>) target_semaphore(%run_scoped3A : memref<!tpu.dma_semaphore, #tpu.memory_space<semaphore_mem>>)
        %dma_wait3A_51 = tpu.memref_slice %arg4[%add3A_44] : memref<323584xi32, #tpu.memory_space<hbm>> -> memref<128xi32, #tpu.memory_space<hbm>>
        %dma_wait3A_52 = tpu.memref_slice %arg4[%add3A_44] : memref<323584xi32, #tpu.memory_space<hbm>> -> memref<128xi32, #tpu.memory_space<hbm>>
        tpu.wait_dma2 semaphore(%run_scoped3A : memref<!tpu.dma_semaphore, #tpu.memory_space<semaphore_mem>>) src(%dma_wait3A_52 : memref<128xi32, #tpu.memory_space<hbm>>) dst(%arg8 : memref<128xi32, #tpu.memory_space<vmem>>)
        tpu.yield
      }) : () -> ()
      %dma_start3A = arith.constant 0 : i32
      %dma_start3A_45 = arith.constant 0 : i32
      %dma_start3A_46 = tpu.memref_slice %arg2[%dma_start3A, %dma_start3A_45] : memref<10000x128xf32, #tpu.memory_space<hbm>> -> memref<10000x128xf32, #tpu.memory_space<hbm>>
      tpu.enqueue_indirect_dma source(%dma_start3A_46 : memref<10000x128xf32, #tpu.memory_space<hbm>>) target(%arg9 : memref<128x128xf32, #tpu.memory_space<vmem>>) offsets(%arg7 : memref<128xi32, #tpu.memory_space<vmem>>) semaphore(%arg10 : memref<!tpu.dma_semaphore, #tpu.memory_space<semaphore_mem>>)
      %dma_wait3A = arith.constant 0 : i32
      %dma_wait3A_47 = arith.constant 0 : i32
      %dma_wait3A_48 = tpu.memref_slice %arg2[%dma_wait3A, %dma_wait3A_47] : memref<10000x128xf32, #tpu.memory_space<hbm>> -> memref<10000x128xf32, #tpu.memory_space<hbm>>
      tpu.wait_indirect_dma semaphore(%arg10 : memref<!tpu.dma_semaphore, #tpu.memory_space<semaphore_mem>>) src(%dma_wait3A_48 : memref<10000x128xf32, #tpu.memory_space<hbm>>) dst(%arg9 : memref<128x128xf32, #tpu.memory_space<vmem>>)
      "tpu.region"() ({
        %run_scoped3A = tpu.sem_alloc : memref<!tpu.dma_semaphore, #tpu.memory_space<semaphore_mem>>
        %dma_start3A_49 = arith.constant 0 : i32
        %dma_start3A_50 = arith.constant 0 : i32
        %dma_start3A_51 = tpu.memref_slice %arg11[%dma_start3A_49, %dma_start3A_50] : memref<10240x128xf32, #tpu.memory_space<vmem_shared>> -> memref<10240x128xf32, #tpu.memory_space<vmem_shared>>
        tpu.enqueue_indirect_dma source(%arg9 : memref<128x128xf32, #tpu.memory_space<vmem>>) target(%dma_start3A_51 : memref<10240x128xf32, #tpu.memory_space<vmem_shared>>) offsets(%arg8 : memref<128xi32, #tpu.memory_space<vmem>>) semaphore(%run_scoped3A : memref<!tpu.dma_semaphore, #tpu.memory_space<semaphore_mem>>) {add = true}
        %dma_wait3A_52 = arith.constant 0 : i32
        %dma_wait3A_53 = arith.constant 0 : i32
        %dma_wait3A_54 = tpu.memref_slice %arg11[%dma_wait3A_52, %dma_wait3A_53] : memref<10240x128xf32, #tpu.memory_space<vmem_shared>> -> memref<10240x128xf32, #tpu.memory_space<vmem_shared>>
        tpu.wait_indirect_dma semaphore(%run_scoped3A : memref<!tpu.dma_semaphore, #tpu.memory_space<semaphore_mem>>) src(%arg9 : memref<128x128xf32, #tpu.memory_space<vmem>>) dst(%dma_wait3A_54 : memref<10240x128xf32, #tpu.memory_space<vmem_shared>>)
        tpu.yield
      }) : () -> ()
    }
    %scan3A_17 = arith.constant 79 : i32
    %barrier3A_18 = arith.constant 0 : index
    tpu.barrier barrier_id(%barrier3A_18)
    %add3A_19 = arith.constant 0 : i32
    %add3A_20 = arith.addi %mul3A_0, %add3A_19 : i32
    "tpu.region"() ({
      %run_scoped3A = tpu.sem_alloc : memref<!tpu.dma_semaphore, #tpu.memory_space<semaphore_mem>>
      %dma_start3A = arith.constant 0 : i32
      %dma_start3A_39 = tpu.memref_slice %arg11[%add3A_20, %dma_start3A] : memref<10240x128xf32, #tpu.memory_space<vmem_shared>> -> memref<128x128xf32, #tpu.memory_space<vmem_shared>>
      %dma_start3A_40 = arith.constant 0 : i32
      %dma_start3A_41 = tpu.memref_slice %arg11[%add3A_20, %dma_start3A_40] : memref<10240x128xf32, #tpu.memory_space<vmem_shared>> -> memref<128x128xf32, #tpu.memory_space<vmem_shared>>
      tpu.enqueue_dma source(%dma_start3A_41 : memref<128x128xf32, #tpu.memory_space<vmem_shared>>) target(%arg9 : memref<128x128xf32, #tpu.memory_space<vmem>>) target_semaphore(%run_scoped3A : memref<!tpu.dma_semaphore, #tpu.memory_space<semaphore_mem>>)
      %dma_wait3A = arith.constant 0 : i32
      %dma_wait3A_42 = tpu.memref_slice %arg11[%add3A_20, %dma_wait3A] : memref<10240x128xf32, #tpu.memory_space<vmem_shared>> -> memref<128x128xf32, #tpu.memory_space<vmem_shared>>
      %dma_wait3A_43 = arith.constant 0 : i32
      %dma_wait3A_44 = tpu.memref_slice %arg11[%add3A_20, %dma_wait3A_43] : memref<10240x128xf32, #tpu.memory_space<vmem_shared>> -> memref<128x128xf32, #tpu.memory_space<vmem_shared>>
      tpu.wait_dma2 semaphore(%run_scoped3A : memref<!tpu.dma_semaphore, #tpu.memory_space<semaphore_mem>>) src(%dma_wait3A_44 : memref<128x128xf32, #tpu.memory_space<vmem_shared>>) dst(%arg9 : memref<128x128xf32, #tpu.memory_space<vmem>>)
      tpu.yield
    }) : () -> ()
    %add3A_21 = arith.constant 0 : i32
    %add3A_22 = arith.addi %mul3A_0, %add3A_21 : i32
    "tpu.region"() ({
      %run_scoped3A = tpu.sem_alloc : memref<!tpu.dma_semaphore, #tpu.memory_space<semaphore_mem>>
      %dma_start3A = arith.constant 0 : i32
      %dma_start3A_39 = tpu.memref_slice %arg6[%arg0, %add3A_22, %dma_start3A] : memref<2x10240x128xf32, #tpu.memory_space<hbm>> -> memref<1x128x128xf32, #tpu.memory_space<hbm>>
      %dma_start3A_40 = tpu.memref_squeeze %dma_start3A_39 : memref<1x128x128xf32, #tpu.memory_space<hbm>> -> memref<128x128xf32, #tpu.memory_space<hbm>>
      %dma_start3A_41 = arith.constant 0 : i32
      %dma_start3A_42 = tpu.memref_slice %arg6[%arg0, %add3A_22, %dma_start3A_41] : memref<2x10240x128xf32, #tpu.memory_space<hbm>> -> memref<1x128x128xf32, #tpu.memory_space<hbm>>
      %dma_start3A_43 = tpu.memref_squeeze %dma_start3A_42 : memref<1x128x128xf32, #tpu.memory_space<hbm>> -> memref<128x128xf32, #tpu.memory_space<hbm>>
      tpu.enqueue_dma source(%arg9 : memref<128x128xf32, #tpu.memory_space<vmem>>) target(%dma_start3A_43 : memref<128x128xf32, #tpu.memory_space<hbm>>) target_semaphore(%run_scoped3A : memref<!tpu.dma_semaphore, #tpu.memory_space<semaphore_mem>>)
      %dma_wait3A = arith.constant 0 : i32
      %dma_wait3A_44 = tpu.memref_slice %arg6[%arg0, %add3A_22, %dma_wait3A] : memref<2x10240x128xf32, #tpu.memory_space<hbm>> -> memref<1x128x128xf32, #tpu.memory_space<hbm>>
      %dma_wait3A_45 = tpu.memref_squeeze %dma_wait3A_44 : memref<1x128x128xf32, #tpu.memory_space<hbm>> -> memref<128x128xf32, #tpu.memory_space<hbm>>
      %dma_wait3A_46 = arith.constant 0 : i32
      %dma_wait3A_47 = tpu.memref_slice %arg6[%arg0, %add3A_22, %dma_wait3A_46] : memref<2x10240x128xf32, #tpu.memory_space<hbm>> -> memref<1x128x128xf32, #tpu.memory_space<hbm>>
      %dma_wait3A_48 = tpu.memref_squeeze %dma_wait3A_47 : memref<1x128x128xf32, #tpu.memory_space<hbm>> -> memref<128x128xf32, #tpu.memory_space<hbm>>
      tpu.wait_dma2 semaphore(%run_scoped3A : memref<!tpu.dma_semaphore, #tpu.memory_space<semaphore_mem>>) src(%arg9 : memref<128x128xf32, #tpu.memory_space<vmem>>) dst(%dma_wait3A_48 : memref<128x128xf32, #tpu.memory_space<hbm>>)
      tpu.yield
    }) : () -> ()
    %add3A_23 = arith.constant 128 : i32
    %add3A_24 = arith.addi %mul3A_0, %add3A_23 : i32
    "tpu.region"() ({
      %run_scoped3A = tpu.sem_alloc : memref<!tpu.dma_semaphore, #tpu.memory_space<semaphore_mem>>
      %dma_start3A = arith.constant 0 : i32
      %dma_start3A_39 = tpu.memref_slice %arg11[%add3A_24, %dma_start3A] : memref<10240x128xf32, #tpu.memory_space<vmem_shared>> -> memref<128x128xf32, #tpu.memory_space<vmem_shared>>
      %dma_start3A_40 = arith.constant 0 : i32
      %dma_start3A_41 = tpu.memref_slice %arg11[%add3A_24, %dma_start3A_40] : memref<10240x128xf32, #tpu.memory_space<vmem_shared>> -> memref<128x128xf32, #tpu.memory_space<vmem_shared>>
      tpu.enqueue_dma source(%dma_start3A_41 : memref<128x128xf32, #tpu.memory_space<vmem_shared>>) target(%arg9 : memref<128x128xf32, #tpu.memory_space<vmem>>) target_semaphore(%run_scoped3A : memref<!tpu.dma_semaphore, #tpu.memory_space<semaphore_mem>>)
      %dma_wait3A = arith.constant 0 : i32
      %dma_wait3A_42 = tpu.memref_slice %arg11[%add3A_24, %dma_wait3A] : memref<10240x128xf32, #tpu.memory_space<vmem_shared>> -> memref<128x128xf32, #tpu.memory_space<vmem_shared>>
      %dma_wait3A_43 = arith.constant 0 : i32
      %dma_wait3A_44 = tpu.memref_slice %arg11[%add3A_24, %dma_wait3A_43] : memref<10240x128xf32, #tpu.memory_space<vmem_shared>> -> memref<128x128xf32, #tpu.memory_space<vmem_shared>>
      tpu.wait_dma2 semaphore(%run_scoped3A : memref<!tpu.dma_semaphore, #tpu.memory_space<semaphore_mem>>) src(%dma_wait3A_44 : memref<128x128xf32, #tpu.memory_space<vmem_shared>>) dst(%arg9 : memref<128x128xf32, #tpu.memory_space<vmem>>)
      tpu.yield
    }) : () -> ()
    %add3A_25 = arith.constant 128 : i32
    %add3A_26 = arith.addi %mul3A_0, %add3A_25 : i32
    "tpu.region"() ({
      %run_scoped3A = tpu.sem_alloc : memref<!tpu.dma_semaphore, #tpu.memory_space<semaphore_mem>>
      %dma_start3A = arith.constant 0 : i32
      %dma_start3A_39 = tpu.memref_slice %arg6[%arg0, %add3A_26, %dma_start3A] : memref<2x10240x128xf32, #tpu.memory_space<hbm>> -> memref<1x128x128xf32, #tpu.memory_space<hbm>>
      %dma_start3A_40 = tpu.memref_squeeze %dma_start3A_39 : memref<1x128x128xf32, #tpu.memory_space<hbm>> -> memref<128x128xf32, #tpu.memory_space<hbm>>
      %dma_start3A_41 = arith.constant 0 : i32
      %dma_start3A_42 = tpu.memref_slice %arg6[%arg0, %add3A_26, %dma_start3A_41] : memref<2x10240x128xf32, #tpu.memory_space<hbm>> -> memref<1x128x128xf32, #tpu.memory_space<hbm>>
      %dma_start3A_43 = tpu.memref_squeeze %dma_start3A_42 : memref<1x128x128xf32, #tpu.memory_space<hbm>> -> memref<128x128xf32, #tpu.memory_space<hbm>>
      tpu.enqueue_dma source(%arg9 : memref<128x128xf32, #tpu.memory_space<vmem>>) target(%dma_start3A_43 : memref<128x128xf32, #tpu.memory_space<hbm>>) target_semaphore(%run_scoped3A : memref<!tpu.dma_semaphore, #tpu.memory_space<semaphore_mem>>)
      %dma_wait3A = arith.constant 0 : i32
      %dma_wait3A_44 = tpu.memref_slice %arg6[%arg0, %add3A_26, %dma_wait3A] : memref<2x10240x128xf32, #tpu.memory_space<hbm>> -> memref<1x128x128xf32, #tpu.memory_space<hbm>>
      %dma_wait3A_45 = tpu.memref_squeeze %dma_wait3A_44 : memref<1x128x128xf32, #tpu.memory_space<hbm>> -> memref<128x128xf32, #tpu.memory_space<hbm>>
      %dma_wait3A_46 = arith.constant 0 : i32
      %dma_wait3A_47 = tpu.memref_slice %arg6[%arg0, %add3A_26, %dma_wait3A_46] : memref<2x10240x128xf32, #tpu.memory_space<hbm>> -> memref<1x128x128xf32, #tpu.memory_space<hbm>>
      %dma_wait3A_48 = tpu.memref_squeeze %dma_wait3A_47 : memref<1x128x128xf32, #tpu.memory_space<hbm>> -> memref<128x128xf32, #tpu.memory_space<hbm>>
      tpu.wait_dma2 semaphore(%run_scoped3A : memref<!tpu.dma_semaphore, #tpu.memory_space<semaphore_mem>>) src(%arg9 : memref<128x128xf32, #tpu.memory_space<vmem>>) dst(%dma_wait3A_48 : memref<128x128xf32, #tpu.memory_space<hbm>>)
      tpu.yield
    }) : () -> ()
    %add3A_27 = arith.constant 256 : i32
    %add3A_28 = arith.addi %mul3A_0, %add3A_27 : i32
    "tpu.region"() ({
      %run_scoped3A = tpu.sem_alloc : memref<!tpu.dma_semaphore, #tpu.memory_space<semaphore_mem>>
      %dma_start3A = arith.constant 0 : i32
      %dma_start3A_39 = tpu.memref_slice %arg11[%add3A_28, %dma_start3A] : memref<10240x128xf32, #tpu.memory_space<vmem_shared>> -> memref<128x128xf32, #tpu.memory_space<vmem_shared>>
      %dma_start3A_40 = arith.constant 0 : i32
      %dma_start3A_41 = tpu.memref_slice %arg11[%add3A_28, %dma_start3A_40] : memref<10240x128xf32, #tpu.memory_space<vmem_shared>> -> memref<128x128xf32, #tpu.memory_space<vmem_shared>>
      tpu.enqueue_dma source(%dma_start3A_41 : memref<128x128xf32, #tpu.memory_space<vmem_shared>>) target(%arg9 : memref<128x128xf32, #tpu.memory_space<vmem>>) target_semaphore(%run_scoped3A : memref<!tpu.dma_semaphore, #tpu.memory_space<semaphore_mem>>)
      %dma_wait3A = arith.constant 0 : i32
      %dma_wait3A_42 = tpu.memref_slice %arg11[%add3A_28, %dma_wait3A] : memref<10240x128xf32, #tpu.memory_space<vmem_shared>> -> memref<128x128xf32, #tpu.memory_space<vmem_shared>>
      %dma_wait3A_43 = arith.constant 0 : i32
      %dma_wait3A_44 = tpu.memref_slice %arg11[%add3A_28, %dma_wait3A_43] : memref<10240x128xf32, #tpu.memory_space<vmem_shared>> -> memref<128x128xf32, #tpu.memory_space<vmem_shared>>
      tpu.wait_dma2 semaphore(%run_scoped3A : memref<!tpu.dma_semaphore, #tpu.memory_space<semaphore_mem>>) src(%dma_wait3A_44 : memref<128x128xf32, #tpu.memory_space<vmem_shared>>) dst(%arg9 : memref<128x128xf32, #tpu.memory_space<vmem>>)
      tpu.yield
    }) : () -> ()
    %add3A_29 = arith.constant 256 : i32
    %add3A_30 = arith.addi %mul3A_0, %add3A_29 : i32
    "tpu.region"() ({
      %run_scoped3A = tpu.sem_alloc : memref<!tpu.dma_semaphore, #tpu.memory_space<semaphore_mem>>
      %dma_start3A = arith.constant 0 : i32
      %dma_start3A_39 = tpu.memref_slice %arg6[%arg0, %add3A_30, %dma_start3A] : memref<2x10240x128xf32, #tpu.memory_space<hbm>> -> memref<1x128x128xf32, #tpu.memory_space<hbm>>
      %dma_start3A_40 = tpu.memref_squeeze %dma_start3A_39 : memref<1x128x128xf32, #tpu.memory_space<hbm>> -> memref<128x128xf32, #tpu.memory_space<hbm>>
      %dma_start3A_41 = arith.constant 0 : i32
      %dma_start3A_42 = tpu.memref_slice %arg6[%arg0, %add3A_30, %dma_start3A_41] : memref<2x10240x128xf32, #tpu.memory_space<hbm>> -> memref<1x128x128xf32, #tpu.memory_space<hbm>>
      %dma_start3A_43 = tpu.memref_squeeze %dma_start3A_42 : memref<1x128x128xf32, #tpu.memory_space<hbm>> -> memref<128x128xf32, #tpu.memory_space<hbm>>
      tpu.enqueue_dma source(%arg9 : memref<128x128xf32, #tpu.memory_space<vmem>>) target(%dma_start3A_43 : memref<128x128xf32, #tpu.memory_space<hbm>>) target_semaphore(%run_scoped3A : memref<!tpu.dma_semaphore, #tpu.memory_space<semaphore_mem>>)
      %dma_wait3A = arith.constant 0 : i32
      %dma_wait3A_44 = tpu.memref_slice %arg6[%arg0, %add3A_30, %dma_wait3A] : memref<2x10240x128xf32, #tpu.memory_space<hbm>> -> memref<1x128x128xf32, #tpu.memory_space<hbm>>
      %dma_wait3A_45 = tpu.memref_squeeze %dma_wait3A_44 : memref<1x128x128xf32, #tpu.memory_space<hbm>> -> memref<128x128xf32, #tpu.memory_space<hbm>>
      %dma_wait3A_46 = arith.constant 0 : i32
      %dma_wait3A_47 = tpu.memref_slice %arg6[%arg0, %add3A_30, %dma_wait3A_46] : memref<2x10240x128xf32, #tpu.memory_space<hbm>> -> memref<1x128x128xf32, #tpu.memory_space<hbm>>
      %dma_wait3A_48 = tpu.memref_squeeze %dma_wait3A_47 : memref<1x128x128xf32, #tpu.memory_space<hbm>> -> memref<128x128xf32, #tpu.memory_space<hbm>>
      tpu.wait_dma2 semaphore(%run_scoped3A : memref<!tpu.dma_semaphore, #tpu.memory_space<semaphore_mem>>) src(%arg9 : memref<128x128xf32, #tpu.memory_space<vmem>>) dst(%dma_wait3A_48 : memref<128x128xf32, #tpu.memory_space<hbm>>)
      tpu.yield
    }) : () -> ()
    %add3A_31 = arith.constant 384 : i32
    %add3A_32 = arith.addi %mul3A_0, %add3A_31 : i32
    "tpu.region"() ({
      %run_scoped3A = tpu.sem_alloc : memref<!tpu.dma_semaphore, #tpu.memory_space<semaphore_mem>>
      %dma_start3A = arith.constant 0 : i32
      %dma_start3A_39 = tpu.memref_slice %arg11[%add3A_32, %dma_start3A] : memref<10240x128xf32, #tpu.memory_space<vmem_shared>> -> memref<128x128xf32, #tpu.memory_space<vmem_shared>>
      %dma_start3A_40 = arith.constant 0 : i32
      %dma_start3A_41 = tpu.memref_slice %arg11[%add3A_32, %dma_start3A_40] : memref<10240x128xf32, #tpu.memory_space<vmem_shared>> -> memref<128x128xf32, #tpu.memory_space<vmem_shared>>
      tpu.enqueue_dma source(%dma_start3A_41 : memref<128x128xf32, #tpu.memory_space<vmem_shared>>) target(%arg9 : memref<128x128xf32, #tpu.memory_space<vmem>>) target_semaphore(%run_scoped3A : memref<!tpu.dma_semaphore, #tpu.memory_space<semaphore_mem>>)
      %dma_wait3A = arith.constant 0 : i32
      %dma_wait3A_42 = tpu.memref_slice %arg11[%add3A_32, %dma_wait3A] : memref<10240x128xf32, #tpu.memory_space<vmem_shared>> -> memref<128x128xf32, #tpu.memory_space<vmem_shared>>
      %dma_wait3A_43 = arith.constant 0 : i32
      %dma_wait3A_44 = tpu.memref_slice %arg11[%add3A_32, %dma_wait3A_43] : memref<10240x128xf32, #tpu.memory_space<vmem_shared>> -> memref<128x128xf32, #tpu.memory_space<vmem_shared>>
      tpu.wait_dma2 semaphore(%run_scoped3A : memref<!tpu.dma_semaphore, #tpu.memory_space<semaphore_mem>>) src(%dma_wait3A_44 : memref<128x128xf32, #tpu.memory_space<vmem_shared>>) dst(%arg9 : memref<128x128xf32, #tpu.memory_space<vmem>>)
      tpu.yield
    }) : () -> ()
    %add3A_33 = arith.constant 384 : i32
    %add3A_34 = arith.addi %mul3A_0, %add3A_33 : i32
    "tpu.region"() ({
      %run_scoped3A = tpu.sem_alloc : memref<!tpu.dma_semaphore, #tpu.memory_space<semaphore_mem>>
      %dma_start3A = arith.constant 0 : i32
      %dma_start3A_39 = tpu.memref_slice %arg6[%arg0, %add3A_34, %dma_start3A] : memref<2x10240x128xf32, #tpu.memory_space<hbm>> -> memref<1x128x128xf32, #tpu.memory_space<hbm>>
      %dma_start3A_40 = tpu.memref_squeeze %dma_start3A_39 : memref<1x128x128xf32, #tpu.memory_space<hbm>> -> memref<128x128xf32, #tpu.memory_space<hbm>>
      %dma_start3A_41 = arith.constant 0 : i32
      %dma_start3A_42 = tpu.memref_slice %arg6[%arg0, %add3A_34, %dma_start3A_41] : memref<2x10240x128xf32, #tpu.memory_space<hbm>> -> memref<1x128x128xf32, #tpu.memory_space<hbm>>
      %dma_start3A_43 = tpu.memref_squeeze %dma_start3A_42 : memref<1x128x128xf32, #tpu.memory_space<hbm>> -> memref<128x128xf32, #tpu.memory_space<hbm>>
      tpu.enqueue_dma source(%arg9 : memref<128x128xf32, #tpu.memory_space<vmem>>) target(%dma_start3A_43 : memref<128x128xf32, #tpu.memory_space<hbm>>) target_semaphore(%run_scoped3A : memref<!tpu.dma_semaphore, #tpu.memory_space<semaphore_mem>>)
      %dma_wait3A = arith.constant 0 : i32
      %dma_wait3A_44 = tpu.memref_slice %arg6[%arg0, %add3A_34, %dma_wait3A] : memref<2x10240x128xf32, #tpu.memory_space<hbm>> -> memref<1x128x128xf32, #tpu.memory_space<hbm>>
      %dma_wait3A_45 = tpu.memref_squeeze %dma_wait3A_44 : memref<1x128x128xf32, #tpu.memory_space<hbm>> -> memref<128x128xf32, #tpu.memory_space<hbm>>
      %dma_wait3A_46 = arith.constant 0 : i32
      %dma_wait3A_47 = tpu.memref_slice %arg6[%arg0, %add3A_34, %dma_wait3A_46] : memref<2x10240x128xf32, #tpu.memory_space<hbm>> -> memref<1x128x128xf32, #tpu.memory_space<hbm>>
      %dma_wait3A_48 = tpu.memref_squeeze %dma_wait3A_47 : memref<1x128x128xf32, #tpu.memory_space<hbm>> -> memref<128x128xf32, #tpu.memory_space<hbm>>
      tpu.wait_dma2 semaphore(%run_scoped3A : memref<!tpu.dma_semaphore, #tpu.memory_space<semaphore_mem>>) src(%arg9 : memref<128x128xf32, #tpu.memory_space<vmem>>) dst(%dma_wait3A_48 : memref<128x128xf32, #tpu.memory_space<hbm>>)
      tpu.yield
    }) : () -> ()
    %add3A_35 = arith.constant 512 : i32
    %add3A_36 = arith.addi %mul3A_0, %add3A_35 : i32
    "tpu.region"() ({
      %run_scoped3A = tpu.sem_alloc : memref<!tpu.dma_semaphore, #tpu.memory_space<semaphore_mem>>
      %dma_start3A = arith.constant 0 : i32
      %dma_start3A_39 = tpu.memref_slice %arg11[%add3A_36, %dma_start3A] : memref<10240x128xf32, #tpu.memory_space<vmem_shared>> -> memref<128x128xf32, #tpu.memory_space<vmem_shared>>
      %dma_start3A_40 = arith.constant 0 : i32
      %dma_start3A_41 = tpu.memref_slice %arg11[%add3A_36, %dma_start3A_40] : memref<10240x128xf32, #tpu.memory_space<vmem_shared>> -> memref<128x128xf32, #tpu.memory_space<vmem_shared>>
      tpu.enqueue_dma source(%dma_start3A_41 : memref<128x128xf32, #tpu.memory_space<vmem_shared>>) target(%arg9 : memref<128x128xf32, #tpu.memory_space<vmem>>) target_semaphore(%run_scoped3A : memref<!tpu.dma_semaphore, #tpu.memory_space<semaphore_mem>>)
      %dma_wait3A = arith.constant 0 : i32
      %dma_wait3A_42 = tpu.memref_slice %arg11[%add3A_36, %dma_wait3A] : memref<10240x128xf32, #tpu.memory_space<vmem_shared>> -> memref<128x128xf32, #tpu.memory_space<vmem_shared>>
      %dma_wait3A_43 = arith.constant 0 : i32
      %dma_wait3A_44 = tpu.memref_slice %arg11[%add3A_36, %dma_wait3A_43] : memref<10240x128xf32, #tpu.memory_space<vmem_shared>> -> memref<128x128xf32, #tpu.memory_space<vmem_shared>>
      tpu.wait_dma2 semaphore(%run_scoped3A : memref<!tpu.dma_semaphore, #tpu.memory_space<semaphore_mem>>) src(%dma_wait3A_44 : memref<128x128xf32, #tpu.memory_space<vmem_shared>>) dst(%arg9 : memref<128x128xf32, #tpu.memory_space<vmem>>)
      tpu.yield
    }) : () -> ()
    %add3A_37 = arith.constant 512 : i32
    %add3A_38 = arith.addi %mul3A_0, %add3A_37 : i32
    "tpu.region"() ({
      %run_scoped3A = tpu.sem_alloc : memref<!tpu.dma_semaphore, #tpu.memory_space<semaphore_mem>>
      %dma_start3A = arith.constant 0 : i32
      %dma_start3A_39 = tpu.memref_slice %arg6[%arg0, %add3A_38, %dma_start3A] : memref<2x10240x128xf32, #tpu.memory_space<hbm>> -> memref<1x128x128xf32, #tpu.memory_space<hbm>>
      %dma_start3A_40 = tpu.memref_squeeze %dma_start3A_39 : memref<1x128x128xf32, #tpu.memory_space<hbm>> -> memref<128x128xf32, #tpu.memory_space<hbm>>
      %dma_start3A_41 = arith.constant 0 : i32
      %dma_start3A_42 = tpu.memref_slice %arg6[%arg0, %add3A_38, %dma_start3A_41] : memref<2x10240x128xf32, #tpu.memory_space<hbm>> -> memref<1x128x128xf32, #tpu.memory_space<hbm>>
      %dma_start3A_43 = tpu.memref_squeeze %dma_start3A_42 : memref<1x128x128xf32, #tpu.memory_space<hbm>> -> memref<128x128xf32, #tpu.memory_space<hbm>>
      tpu.enqueue_dma source(%arg9 : memref<128x128xf32, #tpu.memory_space<vmem>>) target(%dma_start3A_43 : memref<128x128xf32, #tpu.memory_space<hbm>>) target_semaphore(%run_scoped3A : memref<!tpu.dma_semaphore, #tpu.memory_space<semaphore_mem>>)
      %dma_wait3A = arith.constant 0 : i32
      %dma_wait3A_44 = tpu.memref_slice %arg6[%arg0, %add3A_38, %dma_wait3A] : memref<2x10240x128xf32, #tpu.memory_space<hbm>> -> memref<1x128x128xf32, #tpu.memory_space<hbm>>
      %dma_wait3A_45 = tpu.memref_squeeze %dma_wait3A_44 : memref<1x128x128xf32, #tpu.memory_space<hbm>> -> memref<128x128xf32, #tpu.memory_space<hbm>>
      %dma_wait3A_46 = arith.constant 0 : i32
      %dma_wait3A_47 = tpu.memref_slice %arg6[%arg0, %add3A_38, %dma_wait3A_46] : memref<2x10240x128xf32, #tpu.memory_space<hbm>> -> memref<1x128x128xf32, #tpu.memory_space<hbm>>
      %dma_wait3A_48 = tpu.memref_squeeze %dma_wait3A_47 : memref<1x128x128xf32, #tpu.memory_space<hbm>> -> memref<128x128xf32, #tpu.memory_space<hbm>>
      tpu.wait_dma2 semaphore(%run_scoped3A : memref<!tpu.dma_semaphore, #tpu.memory_space<semaphore_mem>>) src(%arg9 : memref<128x128xf32, #tpu.memory_space<vmem>>) dst(%dma_wait3A_48 : memref<128x128xf32, #tpu.memory_space<hbm>>)
      tpu.yield
    }) : () -> ()
    return
  }
}

module attributes {stable_mosaic.version = 14 : i64} {
  func.func @_mm_mid_body(%arg0: i32, %arg1: memref<2x512x128xf32, #tpu.memory_space<vmem>>, %arg2: memref<512x128xf32, #tpu.memory_space<vmem>>, %arg3: memref<2x512x1xf32, #tpu.memory_space<vmem>>, %arg4: memref<1x128xf32, #tpu.memory_space<vmem>>, %arg5: memref<128x128xf32, #tpu.memory_space<vmem>>, %arg6: memref<512x128xf32, #tpu.memory_space<vmem>>) attributes {dimension_semantics = [#tpu.dimension_semantics<arbitrary>], iteration_bounds = array<i64: 20>, scalar_prefetch = 0 : i64, scratch_operands = 0 : i64, tpu.core_type = #tpu.core_type<tc>, window_params = [{transform_indices = @transform_0, window_bounds = array<i64: 2, 512, 128>}, {transform_indices = @transform_1, window_bounds = array<i64: 512, 128>}, {transform_indices = @transform_2, window_bounds = array<i64: 2, 512, 1>}, {pipeline_mode = #tpu.pipeline_mode<synchronous>, transform_indices = @transform_3, window_bounds = array<i64: 1, 128>}, {pipeline_mode = #tpu.pipeline_mode<synchronous>, transform_indices = @transform_4, window_bounds = array<i64: 128, 128>}, {transform_indices = @transform_5, window_bounds = array<i64: 512, 128>}]} {
    %get3A = arith.constant 0 : index
    %get3A_0 = arith.constant 0 : index
    %get3A_1 = arith.constant 0 : index
    %get3A_2 = vector.load %arg3[%get3A, %get3A_0, %get3A_1] : memref<2x512x1xf32, #tpu.memory_space<vmem>>, vector<2x512x1xf32>
    %slice3A = vector.extract_strided_slice %get3A_2 {offsets = [0, 0, 0], sizes = [1, 512, 1], strides = [1, 1, 1]} : vector<2x512x1xf32> to vector<1x512x1xf32>
    %squeeze3A = vector.shape_cast %slice3A : vector<1x512x1xf32> to vector<512x1xf32>
    %slice3A_3 = vector.extract_strided_slice %get3A_2 {offsets = [1, 0, 0], sizes = [1, 512, 1], strides = [1, 1, 1]} : vector<2x512x1xf32> to vector<1x512x1xf32>
    %squeeze3A_4 = vector.shape_cast %slice3A_3 : vector<1x512x1xf32> to vector<512x1xf32>
    %add3A = arith.addf %squeeze3A, %squeeze3A_4 : vector<512x1xf32>
    %add3A_5 = arith.constant 1.000000e+00 : f32
    %add3A_6 = vector.broadcast %add3A_5 : f32 to vector<512x1xf32>
    %add3A_7 = arith.addf %add3A, %add3A_6 : vector<512x1xf32>
    %rsqrt3A = math.rsqrt %add3A_7 : vector<512x1xf32>
    %get3A_8 = arith.constant 0 : index
    %get3A_9 = arith.constant 0 : index
    %get3A_10 = arith.constant 0 : index
    %get3A_11 = vector.load %arg1[%get3A_8, %get3A_9, %get3A_10] : memref<2x512x128xf32, #tpu.memory_space<vmem>>, vector<1x512x128xf32>
    %get3A_12 = vector.shape_cast %get3A_11 : vector<1x512x128xf32> to vector<512x128xf32>
    %get3A_13 = arith.constant 1 : index
    %get3A_14 = arith.constant 0 : index
    %get3A_15 = arith.constant 0 : index
    %get3A_16 = vector.load %arg1[%get3A_13, %get3A_14, %get3A_15] : memref<2x512x128xf32, #tpu.memory_space<vmem>>, vector<1x512x128xf32>
    %get3A_17 = vector.shape_cast %get3A_16 : vector<1x512x128xf32> to vector<512x128xf32>
    %add3A_18 = arith.addf %get3A_12, %get3A_17 : vector<512x128xf32>
    %get3A_19 = arith.constant 0 : index
    %get3A_20 = arith.constant 0 : index
    %get3A_21 = vector.load %arg2[%get3A_19, %get3A_20] : memref<512x128xf32, #tpu.memory_space<vmem>>, vector<512x128xf32>
    %add3A_22 = arith.addf %add3A_18, %get3A_21 : vector<512x128xf32>
    %mul3A = vector.broadcast %rsqrt3A : vector<512x1xf32> to vector<512x128xf32>
    %mul3A_23 = arith.mulf %mul3A, %add3A_22 : vector<512x128xf32>
    %get3A_24 = arith.constant 0 : index
    %get3A_25 = arith.constant 0 : index
    %get3A_26 = vector.load %arg4[%get3A_24, %get3A_25] : memref<1x128xf32, #tpu.memory_space<vmem>>, vector<1x128xf32>
    %add3A_27 = vector.broadcast %get3A_26 : vector<1x128xf32> to vector<512x128xf32>
    %add3A_28 = arith.addf %mul3A_23, %add3A_27 : vector<512x128xf32>
    %max3A = arith.constant 0.000000e+00 : f32
    %max3A_29 = vector.broadcast %max3A : f32 to vector<512x128xf32>
    %max3A_30 = arith.maximumf %add3A_28, %max3A_29 : vector<512x128xf32>
    %mul3A_31 = vector.broadcast %rsqrt3A : vector<512x1xf32> to vector<512x128xf32>
    %mul3A_32 = arith.mulf %mul3A_31, %max3A_30 : vector<512x128xf32>
    %get3A_33 = arith.constant 0 : index
    %get3A_34 = arith.constant 0 : index
    %get3A_35 = vector.load %arg5[%get3A_33, %get3A_34] : memref<128x128xf32, #tpu.memory_space<vmem>>, vector<128x128xf32>
    %dot_general3A = arith.constant dense<0.000000e+00> : vector<512x128xf32>
    %dot_general3A_36 = tpu.matmul %mul3A_32, %get3A_35, %dot_general3A {dimension_numbers = #tpu.dot_dimension_numbers<[1], [0], [0], [1], [0, 0, 1, 1], [], []>, transpose_lhs_hint = false} : vector<512x128xf32>, vector<128x128xf32>, vector<512x128xf32> -> vector<512x128xf32>
    %swap3A = arith.constant 0 : index
    %swap3A_37 = arith.constant 0 : index
    %swap3A_38 = vector.load %arg6[%swap3A, %swap3A_37] : memref<512x128xf32, #tpu.memory_space<vmem>>, vector<512x128xf32>
    tpu.vector_store %arg6[%swap3A, %swap3A_37], %dot_general3A_36 {strides = array<i32>} : memref<512x128xf32, #tpu.memory_space<vmem>>, vector<512x128xf32>,
    return
  }
  func.func @transform_0(%arg0: i32) -> (i32, i32, i32) {
    %c0_i32 = arith.constant 0 : i32
    %c0_i32_0 = arith.constant 0 : i32
    %c0_i32_1 = arith.constant 0 : i32
    return %c0_i32, %arg0, %c0_i32_0 : i32, i32, i32
  }
  func.func @transform_1(%arg0: i32) -> (i32, i32) {
    %c0_i32 = arith.constant 0 : i32
    %c0_i32_0 = arith.constant 0 : i32
    return %arg0, %c0_i32 : i32, i32
  }
  func.func @transform_2(%arg0: i32) -> (i32, i32, i32) {
    %c0_i32 = arith.constant 0 : i32
    %c0_i32_0 = arith.constant 0 : i32
    %c0_i32_1 = arith.constant 0 : i32
    return %c0_i32, %arg0, %c0_i32_0 : i32, i32, i32
  }
  func.func @transform_3(%arg0: i32) -> (i32, i32) {
    %c0_i32 = arith.constant 0 : i32
    %c0_i32_0 = arith.constant 0 : i32
    %c0_i32_1 = arith.constant 0 : i32
    return %c0_i32, %c0_i32_0 : i32, i32
  }
  func.func @transform_4(%arg0: i32) -> (i32, i32) {
    %c0_i32 = arith.constant 0 : i32
    %c0_i32_0 = arith.constant 0 : i32
    %c0_i32_1 = arith.constant 0 : i32
    return %c0_i32, %c0_i32_0 : i32, i32
  }
  func.func @transform_5(%arg0: i32) -> (i32, i32) {
    %c0_i32 = arith.constant 0 : i32
    %c0_i32_0 = arith.constant 0 : i32
    return %arg0, %c0_i32 : i32, i32
  }
}

module attributes {stable_mosaic.version = 14 : i64} {
  func.func @_mm1_body(%arg0: i32, %arg1: memref<512x128xf32, #tpu.memory_space<vmem>>, %arg2: memref<2x512x1xf32, #tpu.memory_space<vmem>>, %arg3: memref<128x128xf32, #tpu.memory_space<vmem>>, %arg4: memref<512x128xf32, #tpu.memory_space<vmem>>) attributes {dimension_semantics = [#tpu.dimension_semantics<arbitrary>], iteration_bounds = array<i64: 20>, scalar_prefetch = 0 : i64, scratch_operands = 0 : i64, tpu.core_type = #tpu.core_type<tc>, window_params = [{transform_indices = @transform_0, window_bounds = array<i64: 512, 128>}, {transform_indices = @transform_1, window_bounds = array<i64: 2, 512, 1>}, {pipeline_mode = #tpu.pipeline_mode<synchronous>, transform_indices = @transform_2, window_bounds = array<i64: 128, 128>}, {transform_indices = @transform_3, window_bounds = array<i64: 512, 128>}]} {
    %get3A = arith.constant 0 : index
    %get3A_0 = arith.constant 0 : index
    %get3A_1 = arith.constant 0 : index
    %get3A_2 = vector.load %arg2[%get3A, %get3A_0, %get3A_1] : memref<2x512x1xf32, #tpu.memory_space<vmem>>, vector<2x512x1xf32>
    %slice3A = vector.extract_strided_slice %get3A_2 {offsets = [0, 0, 0], sizes = [1, 512, 1], strides = [1, 1, 1]} : vector<2x512x1xf32> to vector<1x512x1xf32>
    %squeeze3A = vector.shape_cast %slice3A : vector<1x512x1xf32> to vector<512x1xf32>
    %slice3A_3 = vector.extract_strided_slice %get3A_2 {offsets = [1, 0, 0], sizes = [1, 512, 1], strides = [1, 1, 1]} : vector<2x512x1xf32> to vector<1x512x1xf32>
    %squeeze3A_4 = vector.shape_cast %slice3A_3 : vector<1x512x1xf32> to vector<512x1xf32>
    %add3A = arith.addf %squeeze3A, %squeeze3A_4 : vector<512x1xf32>
    %add3A_5 = arith.constant 1.000000e+00 : f32
    %add3A_6 = vector.broadcast %add3A_5 : f32 to vector<512x1xf32>
    %add3A_7 = arith.addf %add3A, %add3A_6 : vector<512x1xf32>
    %rsqrt3A = math.rsqrt %add3A_7 : vector<512x1xf32>
    %get3A_8 = arith.constant 0 : index
    %get3A_9 = arith.constant 0 : index
    %get3A_10 = vector.load %arg1[%get3A_8, %get3A_9] : memref<512x128xf32, #tpu.memory_space<vmem>>, vector<512x128xf32>
    %mul3A = vector.broadcast %rsqrt3A : vector<512x1xf32> to vector<512x128xf32>
    %mul3A_11 = arith.mulf %mul3A, %get3A_10 : vector<512x128xf32>
    %get3A_12 = arith.constant 0 : index
    %get3A_13 = arith.constant 0 : index
    %get3A_14 = vector.load %arg3[%get3A_12, %get3A_13] : memref<128x128xf32, #tpu.memory_space<vmem>>, vector<128x128xf32>
    %dot_general3A = arith.constant dense<0.000000e+00> : vector<512x128xf32>
    %dot_general3A_15 = tpu.matmul %mul3A_11, %get3A_14, %dot_general3A {dimension_numbers = #tpu.dot_dimension_numbers<[1], [0], [0], [1], [0, 0, 1, 1], [], []>, transpose_lhs_hint = false} : vector<512x128xf32>, vector<128x128xf32>, vector<512x128xf32> -> vector<512x128xf32>
    %swap3A = arith.constant 0 : index
    %swap3A_16 = arith.constant 0 : index
    %swap3A_17 = vector.load %arg4[%swap3A, %swap3A_16] : memref<512x128xf32, #tpu.memory_space<vmem>>, vector<512x128xf32>
    tpu.vector_store %arg4[%swap3A, %swap3A_16], %dot_general3A_15 {strides = array<i32>} : memref<512x128xf32, #tpu.memory_space<vmem>>, vector<512x128xf32>,
    return
  }
  func.func @transform_0(%arg0: i32) -> (i32, i32) {
    %c0_i32 = arith.constant 0 : i32
    %c0_i32_0 = arith.constant 0 : i32
    return %arg0, %c0_i32 : i32, i32
  }
  func.func @transform_1(%arg0: i32) -> (i32, i32, i32) {
    %c0_i32 = arith.constant 0 : i32
    %c0_i32_0 = arith.constant 0 : i32
    %c0_i32_1 = arith.constant 0 : i32
    return %c0_i32, %arg0, %c0_i32_0 : i32, i32, i32
  }
  func.func @transform_2(%arg0: i32) -> (i32, i32) {
    %c0_i32 = arith.constant 0 : i32
    %c0_i32_0 = arith.constant 0 : i32
    %c0_i32_1 = arith.constant 0 : i32
    return %c0_i32, %c0_i32_0 : i32, i32
  }
  func.func @transform_3(%arg0: i32) -> (i32, i32) {
    %c0_i32 = arith.constant 0 : i32
    %c0_i32_0 = arith.constant 0 : i32
    return %arg0, %c0_i32 : i32, i32
  }
}

module attributes {stable_mosaic.version = 14 : i64} {
  func.func @_mm_out_body(%arg0: i32, %arg1: memref<2x512x128xf32, #tpu.memory_space<vmem>>, %arg2: memref<512x128xf32, #tpu.memory_space<vmem>>, %arg3: memref<2x512x1xf32, #tpu.memory_space<vmem>>, %arg4: memref<1x128xf32, #tpu.memory_space<vmem>>, %arg5: memref<128x128xf32, #tpu.memory_space<vmem>>, %arg6: memref<1x128xf32, #tpu.memory_space<vmem>>, %arg7: memref<512x128xf32, #tpu.memory_space<vmem>>) attributes {dimension_semantics = [#tpu.dimension_semantics<arbitrary>], iteration_bounds = array<i64: 20>, scalar_prefetch = 0 : i64, scratch_operands = 0 : i64, tpu.core_type = #tpu.core_type<tc>, window_params = [{transform_indices = @transform_0, window_bounds = array<i64: 2, 512, 128>}, {transform_indices = @transform_1, window_bounds = array<i64: 512, 128>}, {transform_indices = @transform_2, window_bounds = array<i64: 2, 512, 1>}, {pipeline_mode = #tpu.pipeline_mode<synchronous>, transform_indices = @transform_3, window_bounds = array<i64: 1, 128>}, {pipeline_mode = #tpu.pipeline_mode<synchronous>, transform_indices = @transform_4, window_bounds = array<i64: 128, 128>}, {pipeline_mode = #tpu.pipeline_mode<synchronous>, transform_indices = @transform_5, window_bounds = array<i64: 1, 128>}, {transform_indices = @transform_6, window_bounds = array<i64: 512, 128>}]} {
    %get3A = arith.constant 0 : index
    %get3A_0 = arith.constant 0 : index
    %get3A_1 = arith.constant 0 : index
    %get3A_2 = vector.load %arg3[%get3A, %get3A_0, %get3A_1] : memref<2x512x1xf32, #tpu.memory_space<vmem>>, vector<2x512x1xf32>
    %slice3A = vector.extract_strided_slice %get3A_2 {offsets = [0, 0, 0], sizes = [1, 512, 1], strides = [1, 1, 1]} : vector<2x512x1xf32> to vector<1x512x1xf32>
    %squeeze3A = vector.shape_cast %slice3A : vector<1x512x1xf32> to vector<512x1xf32>
    %slice3A_3 = vector.extract_strided_slice %get3A_2 {offsets = [1, 0, 0], sizes = [1, 512, 1], strides = [1, 1, 1]} : vector<2x512x1xf32> to vector<1x512x1xf32>
    %squeeze3A_4 = vector.shape_cast %slice3A_3 : vector<1x512x1xf32> to vector<512x1xf32>
    %add3A = arith.addf %squeeze3A, %squeeze3A_4 : vector<512x1xf32>
    %add3A_5 = arith.constant 1.000000e+00 : f32
    %add3A_6 = vector.broadcast %add3A_5 : f32 to vector<512x1xf32>
    %add3A_7 = arith.addf %add3A, %add3A_6 : vector<512x1xf32>
    %rsqrt3A = math.rsqrt %add3A_7 : vector<512x1xf32>
    %get3A_8 = arith.constant 0 : index
    %get3A_9 = arith.constant 0 : index
    %get3A_10 = arith.constant 0 : index
    %get3A_11 = vector.load %arg1[%get3A_8, %get3A_9, %get3A_10] : memref<2x512x128xf32, #tpu.memory_space<vmem>>, vector<1x512x128xf32>
    %get3A_12 = vector.shape_cast %get3A_11 : vector<1x512x128xf32> to vector<512x128xf32>
    %get3A_13 = arith.constant 1 : index
    %get3A_14 = arith.constant 0 : index
    %get3A_15 = arith.constant 0 : index
    %get3A_16 = vector.load %arg1[%get3A_13, %get3A_14, %get3A_15] : memref<2x512x128xf32, #tpu.memory_space<vmem>>, vector<1x512x128xf32>
    %get3A_17 = vector.shape_cast %get3A_16 : vector<1x512x128xf32> to vector<512x128xf32>
    %add3A_18 = arith.addf %get3A_12, %get3A_17 : vector<512x128xf32>
    %get3A_19 = arith.constant 0 : index
    %get3A_20 = arith.constant 0 : index
    %get3A_21 = vector.load %arg2[%get3A_19, %get3A_20] : memref<512x128xf32, #tpu.memory_space<vmem>>, vector<512x128xf32>
    %add3A_22 = arith.addf %add3A_18, %get3A_21 : vector<512x128xf32>
    %mul3A = vector.broadcast %rsqrt3A : vector<512x1xf32> to vector<512x128xf32>
    %mul3A_23 = arith.mulf %mul3A, %add3A_22 : vector<512x128xf32>
    %get3A_24 = arith.constant 0 : index
    %get3A_25 = arith.constant 0 : index
    %get3A_26 = vector.load %arg4[%get3A_24, %get3A_25] : memref<1x128xf32, #tpu.memory_space<vmem>>, vector<1x128xf32>
    %add3A_27 = vector.broadcast %get3A_26 : vector<1x128xf32> to vector<512x128xf32>
    %add3A_28 = arith.addf %mul3A_23, %add3A_27 : vector<512x128xf32>
    %max3A = arith.constant 0.000000e+00 : f32
    %max3A_29 = vector.broadcast %max3A : f32 to vector<512x128xf32>
    %max3A_30 = arith.maximumf %add3A_28, %max3A_29 : vector<512x128xf32>
    %get3A_31 = arith.constant 0 : index
    %get3A_32 = arith.constant 0 : index
    %get3A_33 = vector.load %arg5[%get3A_31, %get3A_32] : memref<128x128xf32, #tpu.memory_space<vmem>>, vector<128x128xf32>
    %dot_general3A = arith.constant dense<0.000000e+00> : vector<512x128xf32>
    %dot_general3A_34 = tpu.matmul %max3A_30, %get3A_33, %dot_general3A {dimension_numbers = #tpu.dot_dimension_numbers<[1], [0], [0], [1], [0, 0, 1, 1], [], []>, transpose_lhs_hint = false} : vector<512x128xf32>, vector<128x128xf32>, vector<512x128xf32> -> vector<512x128xf32>
    %get3A_35 = arith.constant 0 : index
    %get3A_36 = arith.constant 0 : index
    %get3A_37 = vector.load %arg6[%get3A_35, %get3A_36] : memref<1x128xf32, #tpu.memory_space<vmem>>, vector<1x128xf32>
    %add3A_38 = vector.broadcast %get3A_37 : vector<1x128xf32> to vector<512x128xf32>
    %add3A_39 = arith.addf %dot_general3A_34, %add3A_38 : vector<512x128xf32>
    %swap3A = arith.constant 0 : index
    %swap3A_40 = arith.constant 0 : index
    %swap3A_41 = vector.load %arg7[%swap3A, %swap3A_40] : memref<512x128xf32, #tpu.memory_space<vmem>>, vector<512x128xf32>
    tpu.vector_store %arg7[%swap3A, %swap3A_40], %add3A_39 {strides = array<i32>} : memref<512x128xf32, #tpu.memory_space<vmem>>, vector<512x128xf32>,
    return
  }
  func.func @transform_0(%arg0: i32) -> (i32, i32, i32) {
    %c0_i32 = arith.constant 0 : i32
    %c0_i32_0 = arith.constant 0 : i32
    %c0_i32_1 = arith.constant 0 : i32
    return %c0_i32, %arg0, %c0_i32_0 : i32, i32, i32
  }
  func.func @transform_1(%arg0: i32) -> (i32, i32) {
    %c0_i32 = arith.constant 0 : i32
    %c0_i32_0 = arith.constant 0 : i32
    return %arg0, %c0_i32 : i32, i32
  }
  func.func @transform_2(%arg0: i32) -> (i32, i32, i32) {
    %c0_i32 = arith.constant 0 : i32
    %c0_i32_0 = arith.constant 0 : i32
    %c0_i32_1 = arith.constant 0 : i32
    return %c0_i32, %arg0, %c0_i32_0 : i32, i32, i32
  }
  func.func @transform_3(%arg0: i32) -> (i32, i32) {
    %c0_i32 = arith.constant 0 : i32
    %c0_i32_0 = arith.constant 0 : i32
    %c0_i32_1 = arith.constant 0 : i32
    return %c0_i32, %c0_i32_0 : i32, i32
  }
  func.func @transform_4(%arg0: i32) -> (i32, i32) {
    %c0_i32 = arith.constant 0 : i32
    %c0_i32_0 = arith.constant 0 : i32
    %c0_i32_1 = arith.constant 0 : i32
    return %c0_i32, %c0_i32_0 : i32, i32
  }
  func.func @transform_5(%arg0: i32) -> (i32, i32) {
    %c0_i32 = arith.constant 0 : i32
    %c0_i32_0 = arith.constant 0 : i32
    %c0_i32_1 = arith.constant 0 : i32
    return %c0_i32, %c0_i32_0 : i32, i32
  }
  func.func @transform_6(%arg0: i32) -> (i32, i32) {
    %c0_i32 = arith.constant 0 : i32
    %c0_i32_0 = arith.constant 0 : i32
    return %arg0, %c0_i32 : i32, i32
  }
}

</mosaic_0001>

<sc_bundles>
// kernel: kernel.11.cloned.1.call-start
scs
__scs_entry_jumppad:
0x0: {  	(pc) =	sbr.rel $0x88, $3  }
0x1: {  	(tag) =	ssettag $0x0;
	lr =	simm.s32 $0x1  }
0x2: {  	[smem:$0x3F99] =	sst lr;
	_ =	strace $0xD0000000  }
0x3: {  	_ = 	snop  }
0x4: {  	_ = 	snop  }
0x5: {  	_ = 	snop  }
0x6: {  	_ = 	snop  }
0x7: {  	_ = 	snop  }
__scs_overlays_trampoline_lowered:
0x8: {  	[smem:$0x3FA8] =	sst s0  }
0x9: {  	[smem:$0x3FA9] =	sst s1  }
0xa: {  	[smem:$0x3FAA] =	sst s2  }
0xb: {  	[smem:$0x3FAB] =	sst s3  }
0xc: {  	[smem:$0x3FAC] =	sst s4  }
0xd: {  	[smem:$0x3FAD] =	sst s5  }
0xe: {  	[smem:$0x3FAE] =	sst s6  }
0xf: {  	[smem:$0x3FAF] =	sst s7  }
0x10: {  	[smem:$0x3FB0] =	sst s8  }
0x11: {  	[smem:$0x3FB1] =	sst s9;
	s0 =	simm.s32 @!p0 $0x0  }
0x12: {  	s1 =	sld [smem:$0x3F97];
	s0 =	simm.s32 @p0 $0x1  }
0x13: {  	[smem:$0x3FB2] =	sst s0;
	s0 =	simm.s32 @!p1 $0x0  }
0x14: {  	s2 =	sld [smem:$0x3F96];
	s0 =	simm.s32 @p1 $0x1  }
0x15: {  	[smem:$0x3FB3] =	sst s0;
	s0 =	simm.s32 @!p2 $0x0  }
0x16: {  	s3 =	sld [smem:$0x3FDB];
	s0 =	simm.s32 @p2 $0x1  }
0x17: {  	s4 =	simm.s32 $0x1BF5;
	[smem:$0x3FB5] =	sst s0  }
0x18: {  	s0 =	sld [smem:$0x3F98];
	_ =	swait.ge [sflag:s4], $0x0  }
0x19: {  	s7 =	sld [smem:$0x3F99]  }
0x1a: {  	s8 =	sadd.s32 $0xFFFFE003, lr  }
0x1b: {  	s9 =	sadd.s32 $0xFFFFFEF7, lr;
	s5 =	simm.s32 $0xFFFFFFFF;
	p2 =	slt.u32 s8, $0xFFFFF086  }
0x1c: {  	p1 =	slt.u32 s9, $0xF7A;
	s5 =	simm.s32 @!p2 $0x0  }
0x1d: {  	s5 =	simm.s32 @p1 $0x1;
	p0 =	seq.s32 s7, s2  }
0x1e: {  	s7 =	smul.u32 @!p0 $0xF7A, s2;
	p2 =	seq.s32 @!p0 s5, $0x0  }
0x1f: {  	s9 =	smul.u32 $0xF7A, s1;
	s8 =	simm.s32 @!p0 $0x1BF5;
	p2 =	por !p2, p0  }
0x20: {  	[sflag:s8] =	ssyncset.s32 @!p0 $0xFFFFF086;
	s6 =	sadd.s32 @!p0 s3, s7;
	s7 =	simm.s32 @!p0 $0x108  }
0x21: {  	s3 =	sadd.s32 s3, s9;
	s6 =	sadd.s32 @!p0 $0x88, s6;
	s7 =	simm.s32 @p2 $0x1082  }
0x22: {  	[simem:s7], [sflag:s8] =	dma.local @!p0 [hbm:s6], $0xF7A  }
0x23: {  	s9 =	sor.u32 $0xD0000000, s2;
	s6 =	simm.s32 $0x108;
	_ =	swait.ge @!p0 [sflag:s8], $0x0  }
0x24: {  	s3 =	sadd.s32 $0x88, s3;
	s6 =	simm.s32 @!p1 $0x1082;
	[sflag:s4] =	ssyncset.s32 $0xFFFFF086  }
0x25: {  	[simem:s6], [sflag:s4] =	dma.local [hbm:s3], $0xF7A  }
0x26: {  	[smem:$0x3F99] =	sst s1;
	(tag) =	ssettag s2;
	_ =	strace s9  }
0x27: {  	s1 =	sld [smem:$0x3FA9]  }
0x28: {  	s2 =	sld [smem:$0x3FAA]  }
0x29: {  	s4 =	sld [smem:$0x3FAC]  }
0x2a: {  	p0 =	seq.s32 s5, $0x0;
	s5 =	sld [smem:$0x3FAD]  }
0x2b: {  	s6 =	sld [smem:$0x3FAE]  }
0x2c: {  	s7 =	sld [smem:$0x3FAF]  }
0x2d: {  	s3 =	simm.s32 $0x108;
	s8 =	sld [smem:$0x3FB0]  }
0x2e: {  	s3 =	simm.s32 @!p0 $0x1082;
	s9 =	sld [smem:$0x3FB1]  }
0x2f: {  	lr =	sadd.s32 s0, s3;
	s0 =	sld [smem:$0x3FA8]  }
0x30: {  	s3 =	sld [smem:$0x3FAB]  }
0x31: {  	[smem:$0x3FB4] =	sst s10  }
0x32: {  	s10 =	sld [smem:$0x3FB2];
	_ =	sdelay $0x3  }
0x33: {  	p0 =	seq.s32 s10, $0x1;
	s10 =	sld [smem:$0x3FB4];
	_ =	sdelay $0x3  }
0x34: {  	[smem:$0x3FB4] =	sst s10  }
0x35: {  	s10 =	sld [smem:$0x3FB3];
	_ =	sdelay $0x3  }
0x36: {  	p1 =	seq.s32 s10, $0x1;
	s10 =	sld [smem:$0x3FB4];
	_ =	sdelay $0x3  }
0x37: {  	[smem:$0x3FB4] =	sst s10  }
0x38: {  	s10 =	sld [smem:$0x3FB5]  }
0x39: {  	_ = 	snop;
	(pc) =	sbr.ind lr, $3  }
0x3a: {  	_ = 	snop  }
0x3b: {  	_ = 	snop  }
0x3c: {  	p2 =	seq.s32 s10, $0x1;
	s10 =	sld [smem:$0x3FB4]  }
0x3d: {  	_ =	shalt  }
0x3e: {  	_ =	shalt  }
0x3f: {  	_ =	shalt  }
0x40: {  	_ =	shalt  }
0x41: {  	_ =	shalt  }
0x42: {  	_ =	shalt  }
0x43: {  	_ =	shalt  }
0x44: {  	_ =	shalt  }
0x45: {  	_ =	shalt  }
0x46: {  	_ =	shalt  }
0x47: {  	_ =	shalt  }
0x48: {  	_ =	shalt  }
0x49: {  	_ =	shalt  }
0x4a: {  	_ =	shalt  }
0x4b: {  	_ =	shalt  }
0x4c: {  	_ =	shalt  }
0x4d: {  	_ =	shalt  }
0x4e: {  	_ =	shalt  }
0x4f: {  	_ =	shalt  }
0x50: {  	_ =	shalt  }
0x51: {  	_ =	shalt  }
0x52: {  	_ =	shalt  }
0x53: {  	_ =	shalt  }
0x54: {  	_ =	shalt  }
0x55: {  	_ =	shalt  }
0x56: {  	_ =	shalt  }
0x57: {  	_ =	shalt  }
0x58: {  	_ =	shalt  }
0x59: {  	_ =	shalt  }
0x5a: {  	_ =	shalt  }
0x5b: {  	_ =	shalt  }
0x5c: {  	_ =	shalt  }
0x5d: {  	_ =	shalt  }
0x5e: {  	_ =	shalt  }
0x5f: {  	_ =	shalt  }
0x60: {  	_ =	shalt  }
0x61: {  	_ =	shalt  }
0x62: {  	_ =	shalt  }
0x63: {  	_ =	shalt  }
0x64: {  	_ =	shalt  }
0x65: {  	_ =	shalt  }
0x66: {  	_ =	shalt  }
0x67: {  	_ =	shalt  }
0x68: {  	_ =	shalt  }
0x69: {  	_ =	shalt  }
0x6a: {  	_ =	shalt  }
0x6b: {  	_ =	shalt  }
0x6c: {  	_ =	shalt  }
0x6d: {  	_ =	shalt  }
0x6e: {  	_ =	shalt  }
0x6f: {  	_ =	shalt  }
0x70: {  	_ =	shalt  }
0x71: {  	_ =	shalt  }
0x72: {  	_ =	shalt  }
0x73: {  	_ =	shalt  }
0x74: {  	_ =	shalt  }
0x75: {  	_ =	shalt  }
0x76: {  	_ =	shalt  }
0x77: {  	_ =	shalt  }
0x78: {  	_ =	shalt  }
0x79: {  	_ =	shalt  }
0x7a: {  	_ =	shalt  }
0x7b: {  	_ =	shalt  }
0x7c: {  	_ =	shalt  }
0x7d: {  	_ =	shalt  }
0x7e: {  	_ =	shalt  }
0x7f: {  	_ =	shalt  }
0x80: {  	_ =	shalt  }
0x81: {  	_ =	shalt  }
0x82: {  	_ =	shalt  }
0x83: {  	_ =	shalt  }
0x84: {  	_ =	shalt  }
0x85: {  	_ =	shalt  }
0x86: {  	_ =	shalt  }
0x87: {  	_ =	shalt  }
.Lfunc_end0:
.L_simem_size_0:
called_computation.1_lowered:
.L_overlay_start_0:
0x88: {  	s2 =	sld [smem:$0x3FD9]  }
0x89: {  	s3 =	sld [smem:$0x3FFE];
	_ =	sdelay $0x1  }
0x8a: {  	s1 =	srdreg.scid  }
0x8b: {  	s0 =	sand.u32 $0x1, s1  }
0x8c: {  	s17 =	sshll.u32 s0, $0xA;
	s2 =	sadd.s32 s3, s2  }
0x8d: {  	s2 =	sadd.s32 s2, s17  }
0x8e: {  	[smem:$0x3FC0] =	sst s2  }
0x8f: {  	_ = 	snop  }
0x90: {  	s2 =	sld [smem:$0x3FD0];
	(tm) =	ssettm $0x1  }
0x91: {  	s18 =	sld [smem:$0x3FFB];
	_ =	sdelay $0x3  }
0x92: {  	_ =	strace s18  }
0x93: {  	s3 =	sld [smem:$0x3FFC];
	_ =	sdelay $0x3  }
0x94: {  	_ =	strace s3  }
0x95: {  	s3 =	sld [smem:$0x3FFD];
	_ =	sdelay $0x3  }
0x96: {  	_ =	strace s3  }
0x97: {  	_ =	strace $0x8FFFFFFF  }
0x98: {  	s19 =	sld [smem:$0x3FDB];
	_ =	sdelay $0x1  }
0x99: {  	s4 =	simm.s32 $_scs_section_size  }
0x9a: {  	s5 =	simm.s32 $_size__tile_overlayer_lowered;
	s6 =	simm.s32 $_tile_overlayer_lowered  }
0x9b: {  	s22 =	simm.s32 $0x1BFF;
	s21 =	sshll.u32 s6, $0x1;
	s3 =	sadd.s32 s4, s19  }
0x9c: {  	s7 =	simm.s32 $0x0;
	s20 =	sshll.u32 s5, $0x1;
	s5 =	sadd.s32 s21, s3  }
0x9d: {  	[timem:s7], [sflag:s22] =	dma.local [hbm:s5], s20  }
0x9e: {  	_ =	swait.ge [sflag:s22], s20  }
0x9f: {  	s4 =	ssub.s32 $0x0, s20;
	[sflag:s22] =	ssyncset.done $0x0  }
0xa0: {  	[sflag:s22] =	ssyncadd.s32 s4;
	_ =	sdelay $0x1  }
0xa1: {  	s23 =	simm.s32 $0x1B8B  }
0xa2: {  	_ =	swait.ge [sflag:s23], $0x1  }
0xa3: {  	[sflag:s23] =	ssyncset.done $0x0  }
0xa4: {  	s25 =	simm.s32 $0x1B8E;
	s24 =	sld [smem:$0x3FFE];
	[sflag:s23] =	ssyncadd.s32 $0xFFFFFFFF  }
0xa5: {  	s26 =	simm.s32 $execute0_lowered;
	[smem:$0x3FD2] =	sst s25  }
0xa6: {  	s5 =	sshll.u32 s26, $0x1;
	_ =	strace $0x80000049;
	[dreg:$0x1] =	wrdreg $0xFFFFFFFF  }
0xa7: {  	s28 =	simm.s32 $_size_execute0_lowered;
	s3 =	sadd.s32 s3, s5;
	[dreg:$0x0] =	wrdreg $0x0  }
0xa8: {  	s5 =	sshll.u32 s28, $0x1;
	[dreg:$0x2] =	wrdreg s3  }
0xa9: {  	[dreg:$0x3] =	wrdreg s5  }
0xaa: {  	[dreg:$0x4] =	wrdreg $0xC0  }
0xab: {  	_ =	task [dreg:s7], $0x5FFFF  }
0xac: {  	[dreg:$0x1] =	wrdreg $0xFFFFFFFF  }
0xad: {  	[dreg:$0x0] =	wrdreg $0x60  }
0xae: {  	[dreg:$0x2] =	wrdreg s24  }
0xaf: {  	[dreg:$0x3] =	wrdreg s2  }
0xb0: {  	[dreg:$0x4] =	wrdreg $0x41000  }
0xb1: {  	[dreg:$0x5] =	wrdreg $0x9  }
0xb2: {  	_ =	task.clear_ibuf [dreg:s7], $0x6FFFF;
	_ =	strace $0x90000049  }
0xb3: {  	s29 =	simm.s32 $0x9;
	_ =	strace $0x8000004B  }
0xb4: {  	_ =	swait.ge [sflag:s29], $0x1  }
0xb5: {  	[sflag:s29] =	ssyncadd.s32 $0xFFFFFFFF  }
0xb6: {  	_ =	strace $0x9000004B  }
0xb7: {  	_ =	sfence  }
0xb8: {  	s30 =	sld [smem:$0x0];
	_ =	sdelay $0x2  }
0xb9: {  	s31 =	sshll.u32 s1, $0xD;
	s1 =	sshrl.u32 s1, $0x2  }
0xba: {  	s3 =	sand.u32 $0x4000, s31;
	s1 =	sadd.s32 s1, s30  }
0xbb: {  	s0 =	sor.u32 s3, s0;
	s1 =	sshll.u32 s1, $0x11  }
0xbc: {  	s0 =	sor.u32 s1, s0  }
0xbd: {  	s0 =	sadd.s32 $0x8F2B, s0  }
0xbe: {  	[sflag:s0] =	ssyncadd.remote.s32 $0x1  }
0xbf: {  	_ =	sfence.sel $0xFFFF  }
0xc0: {  	[dreg:$0x0] =	wrdreg $0xFFFFFFFF;
	(pc) =	sbr.abs _section_cstart, $3  }
0xc1: {  	[dreg:$0x1] =	wrdreg $0xFFFFFFFF  }
0xc2: {  	_ =	task.clear_ibuf [dreg:s7], $0x2FFFF;
	_ =	strace $0x9FFFFFFF  }
0xc3: {  	(tm) =	ssettm $0x7FFFFFFF  }
tec
execute0_lowered:
.L_overlay_start_1:
0x0: {  	(tag) =	ssettag $0x1  }
0x1: {  	s6 =	rddreg [dreg:$0x0]  }
0x2: {  	s16 =	rddreg [dreg:$0x1]  }
0x3: {  	s1 =	rddreg [dreg:$0x2];
	s3 =	srdreg.scid  }
0x4: {  	s0 =	rddreg [dreg:$0x3];
	s8 =	sand.u32 $0x1, s3  }
0x5: {  	s2 =	simm.s32 $0x0;
	s3 =	stileid.u32;
	s17 =	smul.u32 $0x4F00, s8  }
0x6: {  	s22 =	simm.s32 $0x1;
	s23 =	simm.s32 $0x0;
	s7 =	smul.u32 $0x50000, s3  }
0x7: {  	[smem:$0x7FF] =	sst s2;
	s4 =	sadd.s32 $0x5D200, s6;
	s11 =	smul.u32 $0x14000, s3  }
0x8: {  	s5 =	sadd.s32 $0x2600, s6;
	s15 =	sadd.s32 $0x84400, s6;
	s20 =	smul.u32 $0x140000, s8  }
0x9: {  	_ =	strace $0x8000004A;
	s30 =	ssub.s32 $0x2, s8;
	s31 =	smul.u32 $0x4F0, s3  }
0xa: {  	s9 =	sshrl.u32 s30, $0x1;
	s18 =	sadd.s32 s17, s6;
	s7 =	sshrl.u32 s7, $0x2  }
0xb: {  	s12 =	sadd.s32 $0x4000, s11;
	s19 =	ssub.s32 s30, s9;
	s13 =	sadd.s32 $0x8000, s11  }
0xc: {  	s14 =	sadd.s32 $0xC000, s11;
	s21 =	sadd.s32 $0x10000, s11;
	s11 =	sadd.s32 s11, s20  }
0xd: {  	s17 =	sadd.s32 s17, s16;
	s6 =	sadd.s32 s7, s1;
	s7 =	sadd.s32 s12, s1  }
0xe: {  	s8 =	sadd.s32 s13, s1;
	s9 =	sadd.s32 s14, s1;
	s10 =	sadd.s32 s21, s1  }
0xf: {  	s12 =	sadd.s32 s20, s12;
	s11 =	sshrl.u32 s11, $0x3;
	s13 =	sadd.s32 s20, s13  }
0x10: {  	s14 =	sadd.s32 s20, s14;
	s20 =	sadd.s32 s20, s21;
	s16 =	smax.u32 s19, $0x1  }
0x11: {  	s17 =	sadd.s32 s31, s17;
	s18 =	sadd.s32 s31, s18;
	s19 =	simm.s32 $0x100  }
0x12: {  	s21 =	simm.s32 $0x80;
	s12 =	sshrl.u32 s12, $0x3;
	s11 =	sadd.s32 s15, s11  }
0x13: {  	s13 =	sshrl.u32 s13, $0x3;
	s14 =	sshrl.u32 s14, $0x3;
	s20 =	sshrl.u32 s20, $0x3  }
0x14: {  	s18 =	sadd.s32 $0x3400, s18;
	s12 =	sadd.s32 s15, s12;
	s13 =	sadd.s32 s15, s13  }
0x15: {  	s14 =	sadd.s32 s15, s14;
	s15 =	sadd.s32 s15, s20;
	s20 =	simm.s32 $0x2  }
.LBB2_1:
0x16: {  	[tilespmem:s19], [sflag:$0x2] =	stream.linear.gather [hbm4b:s5+s2], $0x4000, $0x38;
	[tilespmem:$0x18100] =	vst v63  }
0x17: {  	_ =	swait.ge [sflag:s20], $0x4000  }
0x18: {  	[sflag:s20] =	ssyncset.done $0x0  }
0x19: {  	[sflag:s20] =	ssyncadd.s32 $0xFFFFC000  }
0x1a: {  	[spmem:s6] =	stream.linear.scatter [tilespmem:s19], [sflag:$0x2], $0x4000, $0x38;
	[tilespmem:$0x18100] =	vst v63  }
0x1b: {  	_ =	swait.ge [sflag:s20], $0x4000  }
0x1c: {  	[sflag:s20] =	ssyncset.done $0x0  }
0x1d: {  	[sflag:s20] =	ssyncadd.s32 $0xFFFFC000  }
0x1e: {  	[spmem:s7] =	stream.linear.scatter [tilespmem:s19], [sflag:$0x2], $0x4000, $0x38;
	[tilespmem:$0x18100] =	vst v63  }
0x1f: {  	_ =	swait.ge [sflag:s20], $0x4000  }
0x20: {  	[sflag:s20] =	ssyncset.done $0x0  }
0x21: {  	[sflag:s20] =	ssyncadd.s32 $0xFFFFC000  }
0x22: {  	[spmem:s8] =	stream.linear.scatter [tilespmem:s19], [sflag:$0x2], $0x4000, $0x38;
	[tilespmem:$0x18100] =	vst v63  }
0x23: {  	_ =	swait.ge [sflag:s20], $0x4000  }
0x24: {  	[sflag:s20] =	ssyncset.done $0x0  }
0x25: {  	[sflag:s20] =	ssyncadd.s32 $0xFFFFC000  }
0x26: {  	[spmem:s9] =	stream.linear.scatter [tilespmem:s19], [sflag:$0x2], $0x4000, $0x38;
	[tilespmem:$0x18100] =	vst v63  }
0x27: {  	_ =	swait.ge [sflag:s20], $0x4000  }
0x28: {  	[sflag:s20] =	ssyncset.done $0x0  }
0x29: {  	[sflag:s20] =	ssyncadd.s32 $0xFFFFC000  }
0x2a: {  	[spmem:s10] =	stream.linear.scatter [tilespmem:s19], [sflag:$0x2], $0x4000, $0x38;
	[tilespmem:$0x18100] =	vst v63  }
0x2b: {  	_ =	swait.ge [sflag:s20], $0x4000  }
0x2c: {  	[sflag:s20] =	ssyncset.done $0x0  }
0x2d: {  	[sflag:s20] =	ssyncadd.s32 $0xFFFFC000  }
0x2e: {  	s24 =	sadd.s32 $0x0, s18;
	[bflag:$0x0] =	sbarrier.arrive $0xFFFF  }
0x2f: {  	[tilespmem:s2], [sflag:$0x2] =	stream.linear.gather [hbm4b:s24+s2], $0x80, $0x38;
	[tilespmem:$0x18100] =	vst v63  }
0x30: {  	_ =	swait.ge [sflag:s20], $0x80  }
0x31: {  	[sflag:s20] =	ssyncset.done $0x0  }
0x32: {  	s31 =	sadd.s32 $0x0, s17;
	[sflag:s20] =	ssyncadd.s32 $0xFFFFFF80  }
0x33: {  	[tilespmem:s21], [sflag:$0x2] =	stream.linear.gather [hbm4b:s31+s2], $0x80, $0x38;
	[tilespmem:$0x18100] =	vst v63  }
0x34: {  	_ =	swait.ge [sflag:s20], $0x80  }
0x35: {  	[sflag:s20] =	ssyncset.done $0x0  }
0x36: {  	[sflag:s20] =	ssyncadd.s32 $0xFFFFFF80  }
0x37: {  	[tilespmem:s19], [sflag:$0x1] =	stream.indirect.gather [hbm4b:s4+s21], $0x80, s2, s21, $0xb8;
	[tilespmem:$0x18100] =	vst v63  }
0x38: {  	_ =	swait.ge [sflag:s22], $0x4000  }
0x39: {  	[sflag:s22] =	ssyncset.done $0x0  }
0x3a: {  	[sflag:s22] =	ssyncadd.s32 $0xFFFFC000  }
0x3b: {  	[spmem:s1] =	stream.indirect.scatter.add.f32 [tilespmem:s19], [sflag:$0x2], $0x80, s21, s21, $0xb8;
	[tilespmem:$0x18100] =	vst v63  }
0x3c: {  	_ =	swait.ge [sflag:s20], $0x4000  }
0x3d: {  	s25 =	simm.s32 $0x20;
	s24 =	simm.s32 $0x10;
	[sflag:s20] =	ssyncset.done $0x0  }
.LBB2_2:
0x3e: {  	s26 =	sadd.s32 s24, s18  }
0x3f: {  	[sflag:s20] =	ssyncadd.s32 $0xFFFFC000;
	s28 =	smov.u32 s25;
	s29 =	sadd.s32 $0x10, s25  }
0x40: {  	[tilespmem:s2], [sflag:$0x2] =	stream.linear.gather [hbm4b:s26+s2], $0x80, $0x38;
	[tilespmem:$0x18100] =	vst v63  }
0x41: {  	p0 =	sne.s32 s25, $0x4E0;
	_ =	swait.ge [sflag:s20], $0x80  }
0x42: {  	[sflag:s20] =	ssyncset.done $0x0  }
0x43: {  	s25 =	sadd.s32 s24, s17;
	s24 =	smov.u32 s28;
	[sflag:s20] =	ssyncadd.s32 $0xFFFFFF80  }
0x44: {  	[tilespmem:s21], [sflag:$0x2] =	stream.linear.gather [hbm4b:s25+s2], $0x80, $0x38;
	[tilespmem:$0x18100] =	vst v63  }
0x45: {  	_ =	swait.ge [sflag:s20], $0x80  }
0x46: {  	[sflag:s20] =	ssyncset.done $0x0  }
0x47: {  	[sflag:s20] =	ssyncadd.s32 $0xFFFFFF80  }
0x48: {  	[tilespmem:s19], [sflag:$0x1] =	stream.indirect.gather [hbm4b:s4+s21], $0x80, s2, s21, $0xb8;
	[tilespmem:$0x18100] =	vst v63  }
0x49: {  	_ =	swait.ge [sflag:s22], $0x4000  }
.Ltmp0:
0x4a: {  	[sflag:s22] =	ssyncset.done $0x0;
	(pc) =	sbr.rel @p0 .LBB2_2-.Ltmp0, $4  }
0x4b: {  	[sflag:s22] =	ssyncadd.s32 $0xFFFFC000  }
0x4c: {  	[spmem:s1] =	stream.indirect.scatter.add.f32 [tilespmem:s19], [sflag:$0x2], $0x80, s21, s21, $0xb8;
	[tilespmem:$0x18100] =	vst v63  }
0x4d: {  	_ =	swait.ge [sflag:s20], $0x4000  }
0x4e: {  	s25 =	smov.u32 s29;
	[sflag:s20] =	ssyncset.done $0x0  }
0x4f: {  	s25 =	sadd.s32 s24, s18;
	[sflag:s20] =	ssyncadd.s32 $0xFFFFC000  }
0x50: {  	[tilespmem:s2], [sflag:$0x2] =	stream.linear.gather [hbm4b:s25+s2], $0x80, $0x38;
	[tilespmem:$0x18100] =	vst v63  }
0x51: {  	_ =	swait.ge [sflag:s20], $0x80  }
0x52: {  	[sflag:s20] =	ssyncset.done $0x0  }
0x53: {  	s31 =	sadd.s32 s24, s17;
	[sflag:s20] =	ssyncadd.s32 $0xFFFFFF80  }
0x54: {  	[tilespmem:s21], [sflag:$0x2] =	stream.linear.gather [hbm4b:s31+s2], $0x80, $0x38;
	[tilespmem:$0x18100] =	vst v63  }
0x55: {  	_ =	swait.ge [sflag:s20], $0x80  }
0x56: {  	[sflag:s20] =	ssyncset.done $0x0  }
0x57: {  	[sflag:s20] =	ssyncadd.s32 $0xFFFFFF80  }
0x58: {  	[tilespmem:s19], [sflag:$0x1] =	stream.indirect.gather [hbm4b:s4+s21], $0x80, s2, s21, $0xb8;
	[tilespmem:$0x18100] =	vst v63  }
0x59: {  	_ =	swait.ge [sflag:s22], $0x4000  }
0x5a: {  	[sflag:s22] =	ssyncset.done $0x0  }
0x5b: {  	[sflag:s22] =	ssyncadd.s32 $0xFFFFC000  }
0x5c: {  	[spmem:s1] =	stream.indirect.scatter.add.f32 [tilespmem:s19], [sflag:$0x2], $0x80, s21, s21, $0xb8;
	[tilespmem:$0x18100] =	vst v63  }
0x5d: {  	_ =	swait.ge [sflag:s20], $0x4000  }
0x5e: {  	[sflag:s20] =	ssyncset.done $0x0  }
0x5f: {  	[sflag:s20] =	ssyncadd.s32 $0xFFFFC000  }
0x60: {  	[bflag:$0x0] =	sbarrier.arrive $0xFFFF  }
0x61: {  	[tilespmem:s19], [sflag:$0x2] =	stream.linear.gather [spmem:s6], $0x4000, $0x38;
	[tilespmem:$0x18100] =	vst v63  }
0x62: {  	_ =	swait.ge [sflag:s20], $0x4000  }
0x63: {  	[sflag:s20] =	ssyncset.done $0x0  }
0x64: {  	[sflag:s20] =	ssyncadd.s32 $0xFFFFC000  }
0x65: {  	[hbm4b:s11+s2] =	stream.linear.scatter [tilespmem:s19], [sflag:$0x2], $0x4000, $0x38;
	[tilespmem:$0x18100] =	vst v63  }
0x66: {  	_ =	swait.ge [sflag:s20], $0x4000  }
0x67: {  	[sflag:s20] =	ssyncset.done $0x0  }
0x68: {  	[sflag:s20] =	ssyncadd.s32 $0xFFFFC000  }
0x69: {  	[tilespmem:s19], [sflag:$0x2] =	stream.linear.gather [spmem:s7], $0x4000, $0x38;
	[tilespmem:$0x18100] =	vst v63  }
0x6a: {  	_ =	swait.ge [sflag:s20], $0x4000  }
0x6b: {  	[sflag:s20] =	ssyncset.done $0x0  }
0x6c: {  	[sflag:s20] =	ssyncadd.s32 $0xFFFFC000  }
0x6d: {  	[hbm4b:s12+s2] =	stream.linear.scatter [tilespmem:s19], [sflag:$0x2], $0x4000, $0x38;
	[tilespmem:$0x18100] =	vst v63  }
0x6e: {  	_ =	swait.ge [sflag:s20], $0x4000  }
0x6f: {  	[sflag:s20] =	ssyncset.done $0x0  }
0x70: {  	[sflag:s20] =	ssyncadd.s32 $0xFFFFC000  }
0x71: {  	[tilespmem:s19], [sflag:$0x2] =	stream.linear.gather [spmem:s8], $0x4000, $0x38;
	[tilespmem:$0x18100] =	vst v63  }
0x72: {  	_ =	swait.ge [sflag:s20], $0x4000  }
0x73: {  	[sflag:s20] =	ssyncset.done $0x0  }
0x74: {  	[sflag:s20] =	ssyncadd.s32 $0xFFFFC000  }
0x75: {  	[hbm4b:s13+s2] =	stream.linear.scatter [tilespmem:s19], [sflag:$0x2], $0x4000, $0x38;
	[tilespmem:$0x18100] =	vst v63  }
0x76: {  	_ =	swait.ge [sflag:s20], $0x4000  }
0x77: {  	[sflag:s20] =	ssyncset.done $0x0  }
0x78: {  	[sflag:s20] =	ssyncadd.s32 $0xFFFFC000  }
0x79: {  	[tilespmem:s19], [sflag:$0x2] =	stream.linear.gather [spmem:s9], $0x4000, $0x38;
	[tilespmem:$0x18100] =	vst v63  }
0x7a: {  	_ =	swait.ge [sflag:s20], $0x4000  }
0x7b: {  	[sflag:s20] =	ssyncset.done $0x0  }
0x7c: {  	[sflag:s20] =	ssyncadd.s32 $0xFFFFC000  }
0x7d: {  	[hbm4b:s14+s2] =	stream.linear.scatter [tilespmem:s19], [sflag:$0x2], $0x4000, $0x38;
	[tilespmem:$0x18100] =	vst v63  }
0x7e: {  	_ =	swait.ge [sflag:s20], $0x4000  }
0x7f: {  	[sflag:s20] =	ssyncset.done $0x0  }
0x80: {  	[sflag:s20] =	ssyncadd.s32 $0xFFFFC000  }
0x81: {  	[tilespmem:s19], [sflag:$0x2] =	stream.linear.gather [spmem:s10], $0x4000, $0x38;
	[tilespmem:$0x18100] =	vst v63  }
0x82: {  	s23 =	sadd.s32 $0x1, s23;
	_ =	swait.ge [sflag:s20], $0x4000  }
0x83: {  	p0 =	sne.s32 s23, s16;
	[sflag:s20] =	ssyncset.done $0x0  }
.Ltmp1:
0x84: {  	[sflag:s20] =	ssyncadd.s32 $0xFFFFC000;
	(pc) =	sbr.rel @p0 .LBB2_1-.Ltmp1, $4  }
0x85: {  	[hbm4b:s15+s2] =	stream.linear.scatter [tilespmem:s19], [sflag:$0x2], $0x4000, $0x38;
	[tilespmem:$0x18100] =	vst v63  }
0x86: {  	_ =	swait.ge [sflag:s20], $0x4000  }
0x87: {  	[sflag:s20] =	ssyncset.done $0x0  }
0x88: {  	[sflag:s20] =	ssyncadd.s32 $0xFFFFC000  }
0x89: {  	_ =	sfence.sel $0x180000  }
0x8a: {  	[bflag:$0x0] =	sbarrier.arrive $0xFFFF  }
0x8b: {  	p0 =	sne.s32 s3, $0x0;
	_ =	strace $0x9000004A  }
0x8c: {  	s0 =	sadd.s32 @!p0 $0x100000, s0;
	[bflag:$0x2] =	sbarrier.arrive $0xFFFF  }
0x8d: {  	[sflag:s0] =	ssyncadd.tile.s32 @!p0 $0x1;
	_ =	shalt  }
.Lfunc_end2:
_tile_overlayer_lowered:
.L_overlay_start_2:
0x8e: {  	(tag) =	ssettag $0x2  }
0x8f: {  	s0 =	rddreg [dreg:$0x0];
	s2 =	stileid.u32  }
0x90: {  	s1 =	rddreg [dreg:$0x1];
	p0 =	sne.s32 s2, $0x0  }
0x91: {  	s3 =	rddreg [dreg:$0x2];
	[bflag:$0x3] =	sbarrier.arrive $0xFFFF;
	s2 =	simm.s32 @!p0 $0x1C02  }
0x92: {  	[timem:s3], [sflag:s2] =	dma.local @!p0 [hbm:s0], s1  }
0x93: {  	s0 =	simm.s32 @!p0 $0x2  }
0x94: {  	_ =	swait.ge @!p0 [sflag:s0], s1  }
0x95: {  	s1 =	ssub.s32 @!p0 $0x0, s1;
	[sflag:s0] =	ssyncset.done @!p0 $0x0  }
0x96: {  	[sflag:s0] =	ssyncadd.s32 @!p0 s1  }
0x97: {  	[bflag:$0x3] =	sbarrier.arrive $0xFFFF  }
0x98: {  	_ =	shalt  }

// kernel: kernel.14.cloned.1.call-start
scs
__scs_entry_jumppad:
0x0: {  	(pc) =	sbr.rel $0x88, $3  }
0x1: {  	(tag) =	ssettag $0x0;
	lr =	simm.s32 $0x1  }
0x2: {  	[smem:$0x3F99] =	sst lr;
	_ =	strace $0xD0000000  }
0x3: {  	_ = 	snop  }
0x4: {  	_ = 	snop  }
0x5: {  	_ = 	snop  }
0x6: {  	_ = 	snop  }
0x7: {  	_ = 	snop  }
__scs_overlays_trampoline_lowered:
0x8: {  	[smem:$0x3FA8] =	sst s0  }
0x9: {  	[smem:$0x3FA9] =	sst s1  }
0xa: {  	[smem:$0x3FAA] =	sst s2  }
0xb: {  	[smem:$0x3FAB] =	sst s3  }
0xc: {  	[smem:$0x3FAC] =	sst s4  }
0xd: {  	[smem:$0x3FAD] =	sst s5  }
0xe: {  	[smem:$0x3FAE] =	sst s6  }
0xf: {  	[smem:$0x3FAF] =	sst s7  }
0x10: {  	[smem:$0x3FB0] =	sst s8  }
0x11: {  	[smem:$0x3FB1] =	sst s9;
	s0 =	simm.s32 @!p0 $0x0  }
0x12: {  	s1 =	sld [smem:$0x3F97];
	s0 =	simm.s32 @p0 $0x1  }
0x13: {  	[smem:$0x3FB2] =	sst s0;
	s0 =	simm.s32 @!p1 $0x0  }
0x14: {  	s2 =	sld [smem:$0x3F96];
	s0 =	simm.s32 @p1 $0x1  }
0x15: {  	[smem:$0x3FB3] =	sst s0;
	s0 =	simm.s32 @!p2 $0x0  }
0x16: {  	s3 =	sld [smem:$0x3FDB];
	s0 =	simm.s32 @p2 $0x1  }
0x17: {  	s4 =	simm.s32 $0x1BF5;
	[smem:$0x3FB5] =	sst s0  }
0x18: {  	s0 =	sld [smem:$0x3F98];
	_ =	swait.ge [sflag:s4], $0x0  }
0x19: {  	s7 =	sld [smem:$0x3F99]  }
0x1a: {  	s8 =	sadd.s32 $0xFFFFE003, lr  }
0x1b: {  	s9 =	sadd.s32 $0xFFFFFEF7, lr;
	s5 =	simm.s32 $0xFFFFFFFF;
	p2 =	slt.u32 s8, $0xFFFFF086  }
0x1c: {  	p1 =	slt.u32 s9, $0xF7A;
	s5 =	simm.s32 @!p2 $0x0  }
0x1d: {  	s5 =	simm.s32 @p1 $0x1;
	p0 =	seq.s32 s7, s2  }
0x1e: {  	s7 =	smul.u32 @!p0 $0xF7A, s2;
	p2 =	seq.s32 @!p0 s5, $0x0  }
0x1f: {  	s9 =	smul.u32 $0xF7A, s1;
	s8 =	simm.s32 @!p0 $0x1BF5;
	p2 =	por !p2, p0  }
0x20: {  	[sflag:s8] =	ssyncset.s32 @!p0 $0xFFFFF086;
	s6 =	sadd.s32 @!p0 s3, s7;
	s7 =	simm.s32 @!p0 $0x108  }
0x21: {  	s3 =	sadd.s32 s3, s9;
	s6 =	sadd.s32 @!p0 $0x88, s6;
	s7 =	simm.s32 @p2 $0x1082  }
0x22: {  	[simem:s7], [sflag:s8] =	dma.local @!p0 [hbm:s6], $0xF7A  }
0x23: {  	s9 =	sor.u32 $0xD0000000, s2;
	s6 =	simm.s32 $0x108;
	_ =	swait.ge @!p0 [sflag:s8], $0x0  }
0x24: {  	s3 =	sadd.s32 $0x88, s3;
	s6 =	simm.s32 @!p1 $0x1082;
	[sflag:s4] =	ssyncset.s32 $0xFFFFF086  }
0x25: {  	[simem:s6], [sflag:s4] =	dma.local [hbm:s3], $0xF7A  }
0x26: {  	[smem:$0x3F99] =	sst s1;
	(tag) =	ssettag s2;
	_ =	strace s9  }
0x27: {  	s1 =	sld [smem:$0x3FA9]  }
0x28: {  	s2 =	sld [smem:$0x3FAA]  }
0x29: {  	s4 =	sld [smem:$0x3FAC]  }
0x2a: {  	p0 =	seq.s32 s5, $0x0;
	s5 =	sld [smem:$0x3FAD]  }
0x2b: {  	s6 =	sld [smem:$0x3FAE]  }
0x2c: {  	s7 =	sld [smem:$0x3FAF]  }
0x2d: {  	s3 =	simm.s32 $0x108;
	s8 =	sld [smem:$0x3FB0]  }
0x2e: {  	s3 =	simm.s32 @!p0 $0x1082;
	s9 =	sld [smem:$0x3FB1]  }
0x2f: {  	lr =	sadd.s32 s0, s3;
	s0 =	sld [smem:$0x3FA8]  }
0x30: {  	s3 =	sld [smem:$0x3FAB]  }
0x31: {  	[smem:$0x3FB4] =	sst s10  }
0x32: {  	s10 =	sld [smem:$0x3FB2];
	_ =	sdelay $0x3  }
0x33: {  	p0 =	seq.s32 s10, $0x1;
	s10 =	sld [smem:$0x3FB4];
	_ =	sdelay $0x3  }
0x34: {  	[smem:$0x3FB4] =	sst s10  }
0x35: {  	s10 =	sld [smem:$0x3FB3];
	_ =	sdelay $0x3  }
0x36: {  	p1 =	seq.s32 s10, $0x1;
	s10 =	sld [smem:$0x3FB4];
	_ =	sdelay $0x3  }
0x37: {  	[smem:$0x3FB4] =	sst s10  }
0x38: {  	s10 =	sld [smem:$0x3FB5]  }
0x39: {  	_ = 	snop;
	(pc) =	sbr.ind lr, $3  }
0x3a: {  	_ = 	snop  }
0x3b: {  	_ = 	snop  }
0x3c: {  	p2 =	seq.s32 s10, $0x1;
	s10 =	sld [smem:$0x3FB4]  }
0x3d: {  	_ =	shalt  }
0x3e: {  	_ =	shalt  }
0x3f: {  	_ =	shalt  }
0x40: {  	_ =	shalt  }
0x41: {  	_ =	shalt  }
0x42: {  	_ =	shalt  }
0x43: {  	_ =	shalt  }
0x44: {  	_ =	shalt  }
0x45: {  	_ =	shalt  }
0x46: {  	_ =	shalt  }
0x47: {  	_ =	shalt  }
0x48: {  	_ =	shalt  }
0x49: {  	_ =	shalt  }
0x4a: {  	_ =	shalt  }
0x4b: {  	_ =	shalt  }
0x4c: {  	_ =	shalt  }
0x4d: {  	_ =	shalt  }
0x4e: {  	_ =	shalt  }
0x4f: {  	_ =	shalt  }
0x50: {  	_ =	shalt  }
0x51: {  	_ =	shalt  }
0x52: {  	_ =	shalt  }
0x53: {  	_ =	shalt  }
0x54: {  	_ =	shalt  }
0x55: {  	_ =	shalt  }
0x56: {  	_ =	shalt  }
0x57: {  	_ =	shalt  }
0x58: {  	_ =	shalt  }
0x59: {  	_ =	shalt  }
0x5a: {  	_ =	shalt  }
0x5b: {  	_ =	shalt  }
0x5c: {  	_ =	shalt  }
0x5d: {  	_ =	shalt  }
0x5e: {  	_ =	shalt  }
0x5f: {  	_ =	shalt  }
0x60: {  	_ =	shalt  }
0x61: {  	_ =	shalt  }
0x62: {  	_ =	shalt  }
0x63: {  	_ =	shalt  }
0x64: {  	_ =	shalt  }
0x65: {  	_ =	shalt  }
0x66: {  	_ =	shalt  }
0x67: {  	_ =	shalt  }
0x68: {  	_ =	shalt  }
0x69: {  	_ =	shalt  }
0x6a: {  	_ =	shalt  }
0x6b: {  	_ =	shalt  }
0x6c: {  	_ =	shalt  }
0x6d: {  	_ =	shalt  }
0x6e: {  	_ =	shalt  }
0x6f: {  	_ =	shalt  }
0x70: {  	_ =	shalt  }
0x71: {  	_ =	shalt  }
0x72: {  	_ =	shalt  }
0x73: {  	_ =	shalt  }
0x74: {  	_ =	shalt  }
0x75: {  	_ =	shalt  }
0x76: {  	_ =	shalt  }
0x77: {  	_ =	shalt  }
0x78: {  	_ =	shalt  }
0x79: {  	_ =	shalt  }
0x7a: {  	_ =	shalt  }
0x7b: {  	_ =	shalt  }
0x7c: {  	_ =	shalt  }
0x7d: {  	_ =	shalt  }
0x7e: {  	_ =	shalt  }
0x7f: {  	_ =	shalt  }
0x80: {  	_ =	shalt  }
0x81: {  	_ =	shalt  }
0x82: {  	_ =	shalt  }
0x83: {  	_ =	shalt  }
0x84: {  	_ =	shalt  }
0x85: {  	_ =	shalt  }
0x86: {  	_ =	shalt  }
0x87: {  	_ =	shalt  }
.Lfunc_end0:
.L_simem_size_0:
called_computation.2_lowered:
.L_overlay_start_0:
0x88: {  	s2 =	sld [smem:$0x3FD9]  }
0x89: {  	s3 =	sld [smem:$0x3FFE];
	_ =	sdelay $0x1  }
0x8a: {  	s1 =	srdreg.scid  }
0x8b: {  	s0 =	sand.u32 $0x1, s1  }
0x8c: {  	s17 =	sshll.u32 s0, $0xA;
	s2 =	sadd.s32 s3, s2  }
0x8d: {  	s2 =	sadd.s32 s2, s17  }
0x8e: {  	[smem:$0x3FC0] =	sst s2  }
0x8f: {  	_ = 	snop  }
0x90: {  	s2 =	sld [smem:$0x3FD0];
	(tm) =	ssettm $0x1  }
0x91: {  	s18 =	sld [smem:$0x3FFB];
	_ =	sdelay $0x3  }
0x92: {  	_ =	strace s18  }
0x93: {  	s3 =	sld [smem:$0x3FFC];
	_ =	sdelay $0x3  }
0x94: {  	_ =	strace s3  }
0x95: {  	s3 =	sld [smem:$0x3FFD];
	_ =	sdelay $0x3  }
0x96: {  	_ =	strace s3  }
0x97: {  	_ =	strace $0x8FFFFFFF  }
0x98: {  	s19 =	sld [smem:$0x3FDB];
	_ =	sdelay $0x1  }
0x99: {  	s4 =	simm.s32 $_scs_section_size  }
0x9a: {  	s5 =	simm.s32 $_size__tile_overlayer_lowered;
	s6 =	simm.s32 $_tile_overlayer_lowered  }
0x9b: {  	s22 =	simm.s32 $0x1BFF;
	s21 =	sshll.u32 s6, $0x1;
	s3 =	sadd.s32 s4, s19  }
0x9c: {  	s7 =	simm.s32 $0x0;
	s20 =	sshll.u32 s5, $0x1;
	s5 =	sadd.s32 s21, s3  }
0x9d: {  	[timem:s7], [sflag:s22] =	dma.local [hbm:s5], s20  }
0x9e: {  	_ =	swait.ge [sflag:s22], s20  }
0x9f: {  	s4 =	ssub.s32 $0x0, s20;
	[sflag:s22] =	ssyncset.done $0x0  }
0xa0: {  	[sflag:s22] =	ssyncadd.s32 s4;
	_ =	sdelay $0x1  }
0xa1: {  	s23 =	simm.s32 $0x1B8B  }
0xa2: {  	_ =	swait.ge [sflag:s23], $0x1  }
0xa3: {  	[sflag:s23] =	ssyncset.done $0x0  }
0xa4: {  	s25 =	simm.s32 $0x1B8E;
	s24 =	sld [smem:$0x3FFE];
	[sflag:s23] =	ssyncadd.s32 $0xFFFFFFFF  }
0xa5: {  	s26 =	simm.s32 $execute0_lowered;
	[smem:$0x3FD2] =	sst s25  }
0xa6: {  	s5 =	sshll.u32 s26, $0x1;
	_ =	strace $0x8000004C;
	[dreg:$0x1] =	wrdreg $0xFFFFFFFF  }
0xa7: {  	s28 =	simm.s32 $_size_execute0_lowered;
	s3 =	sadd.s32 s3, s5;
	[dreg:$0x0] =	wrdreg $0x0  }
0xa8: {  	s5 =	sshll.u32 s28, $0x1;
	[dreg:$0x2] =	wrdreg s3  }
0xa9: {  	[dreg:$0x3] =	wrdreg s5  }
0xaa: {  	[dreg:$0x4] =	wrdreg $0xC0  }
0xab: {  	_ =	task [dreg:s7], $0x5FFFF  }
0xac: {  	[dreg:$0x1] =	wrdreg $0xFFFFFFFF  }
0xad: {  	[dreg:$0x0] =	wrdreg $0x60  }
0xae: {  	[dreg:$0x2] =	wrdreg s24  }
0xaf: {  	[dreg:$0x3] =	wrdreg s2  }
0xb0: {  	[dreg:$0x4] =	wrdreg $0x41000  }
0xb1: {  	[dreg:$0x5] =	wrdreg $0x9  }
0xb2: {  	_ =	task.clear_ibuf [dreg:s7], $0x6FFFF;
	_ =	strace $0x9000004C  }
0xb3: {  	s29 =	simm.s32 $0x9;
	_ =	strace $0x8000004E  }
0xb4: {  	_ =	swait.ge [sflag:s29], $0x1  }
0xb5: {  	[sflag:s29] =	ssyncadd.s32 $0xFFFFFFFF  }
0xb6: {  	_ =	strace $0x9000004E  }
0xb7: {  	_ =	sfence  }
0xb8: {  	s30 =	sld [smem:$0x0];
	_ =	sdelay $0x2  }
0xb9: {  	s31 =	sshll.u32 s1, $0xD;
	s1 =	sshrl.u32 s1, $0x2  }
0xba: {  	s3 =	sand.u32 $0x4000, s31;
	s1 =	sadd.s32 s1, s30  }
0xbb: {  	s0 =	sor.u32 s3, s0;
	s1 =	sshll.u32 s1, $0x11  }
0xbc: {  	s0 =	sor.u32 s1, s0  }
0xbd: {  	s0 =	sadd.s32 $0x8F2B, s0  }
0xbe: {  	[sflag:s0] =	ssyncadd.remote.s32 $0x1  }
0xbf: {  	_ =	sfence.sel $0xFFFF  }
0xc0: {  	[dreg:$0x0] =	wrdreg $0xFFFFFFFF;
	(pc) =	sbr.abs _section_cstart, $3  }
0xc1: {  	[dreg:$0x1] =	wrdreg $0xFFFFFFFF  }
0xc2: {  	_ =	task.clear_ibuf [dreg:s7], $0x2FFFF;
	_ =	strace $0x9FFFFFFF  }
0xc3: {  	(tm) =	ssettm $0x7FFFFFFF  }
tec
execute0_lowered:
.L_overlay_start_1:
0x0: {  	(tag) =	ssettag $0x1  }
0x1: {  	s6 =	rddreg [dreg:$0x0]  }
0x2: {  	s16 =	rddreg [dreg:$0x1]  }
0x3: {  	s1 =	rddreg [dreg:$0x2];
	s3 =	srdreg.scid  }
0x4: {  	s0 =	rddreg [dreg:$0x3];
	s8 =	sand.u32 $0x1, s3  }
0x5: {  	s2 =	simm.s32 $0x0;
	s3 =	stileid.u32;
	s17 =	smul.u32 $0x4F00, s8  }
0x6: {  	s22 =	simm.s32 $0x1;
	s23 =	simm.s32 $0x0;
	s7 =	smul.u32 $0x50000, s3  }
0x7: {  	[smem:$0x7FF] =	sst s2;
	s4 =	sadd.s32 $0x5D200, s6;
	s11 =	smul.u32 $0x14000, s3  }
0x8: {  	s5 =	sadd.s32 $0x2600, s6;
	s15 =	sadd.s32 $0x84400, s6;
	s20 =	smul.u32 $0x140000, s8  }
0x9: {  	_ =	strace $0x8000004D;
	s30 =	ssub.s32 $0x2, s8;
	s31 =	smul.u32 $0x4F0, s3  }
0xa: {  	s9 =	sshrl.u32 s30, $0x1;
	s18 =	sadd.s32 s17, s6;
	s7 =	sshrl.u32 s7, $0x2  }
0xb: {  	s12 =	sadd.s32 $0x4000, s11;
	s19 =	ssub.s32 s30, s9;
	s13 =	sadd.s32 $0x8000, s11  }
0xc: {  	s14 =	sadd.s32 $0xC000, s11;
	s21 =	sadd.s32 $0x10000, s11;
	s11 =	sadd.s32 s11, s20  }
0xd: {  	s17 =	sadd.s32 s17, s16;
	s6 =	sadd.s32 s7, s1;
	s7 =	sadd.s32 s12, s1  }
0xe: {  	s8 =	sadd.s32 s13, s1;
	s9 =	sadd.s32 s14, s1;
	s10 =	sadd.s32 s21, s1  }
0xf: {  	s12 =	sadd.s32 s20, s12;
	s11 =	sshrl.u32 s11, $0x3;
	s13 =	sadd.s32 s20, s13  }
0x10: {  	s14 =	sadd.s32 s20, s14;
	s20 =	sadd.s32 s20, s21;
	s16 =	smax.u32 s19, $0x1  }
0x11: {  	s17 =	sadd.s32 s31, s17;
	s18 =	sadd.s32 s31, s18;
	s19 =	simm.s32 $0x100  }
0x12: {  	s21 =	simm.s32 $0x80;
	s12 =	sshrl.u32 s12, $0x3;
	s11 =	sadd.s32 s15, s11  }
0x13: {  	s13 =	sshrl.u32 s13, $0x3;
	s14 =	sshrl.u32 s14, $0x3;
	s20 =	sshrl.u32 s20, $0x3  }
0x14: {  	s18 =	sadd.s32 $0x3400, s18;
	s12 =	sadd.s32 s15, s12;
	s13 =	sadd.s32 s15, s13  }
0x15: {  	s14 =	sadd.s32 s15, s14;
	s15 =	sadd.s32 s15, s20;
	s20 =	simm.s32 $0x2  }
.LBB2_1:
0x16: {  	[tilespmem:s19], [sflag:$0x2] =	stream.linear.gather [hbm4b:s5+s2], $0x4000, $0x38;
	[tilespmem:$0x18100] =	vst v63  }
0x17: {  	_ =	swait.ge [sflag:s20], $0x4000  }
0x18: {  	[sflag:s20] =	ssyncset.done $0x0  }
0x19: {  	[sflag:s20] =	ssyncadd.s32 $0xFFFFC000  }
0x1a: {  	[spmem:s6] =	stream.linear.scatter [tilespmem:s19], [sflag:$0x2], $0x4000, $0x38;
	[tilespmem:$0x18100] =	vst v63  }
0x1b: {  	_ =	swait.ge [sflag:s20], $0x4000  }
0x1c: {  	[sflag:s20] =	ssyncset.done $0x0  }
0x1d: {  	[sflag:s20] =	ssyncadd.s32 $0xFFFFC000  }
0x1e: {  	[spmem:s7] =	stream.linear.scatter [tilespmem:s19], [sflag:$0x2], $0x4000, $0x38;
	[tilespmem:$0x18100] =	vst v63  }
0x1f: {  	_ =	swait.ge [sflag:s20], $0x4000  }
0x20: {  	[sflag:s20] =	ssyncset.done $0x0  }
0x21: {  	[sflag:s20] =	ssyncadd.s32 $0xFFFFC000  }
0x22: {  	[spmem:s8] =	stream.linear.scatter [tilespmem:s19], [sflag:$0x2], $0x4000, $0x38;
	[tilespmem:$0x18100] =	vst v63  }
0x23: {  	_ =	swait.ge [sflag:s20], $0x4000  }
0x24: {  	[sflag:s20] =	ssyncset.done $0x0  }
0x25: {  	[sflag:s20] =	ssyncadd.s32 $0xFFFFC000  }
0x26: {  	[spmem:s9] =	stream.linear.scatter [tilespmem:s19], [sflag:$0x2], $0x4000, $0x38;
	[tilespmem:$0x18100] =	vst v63  }
0x27: {  	_ =	swait.ge [sflag:s20], $0x4000  }
0x28: {  	[sflag:s20] =	ssyncset.done $0x0  }
0x29: {  	[sflag:s20] =	ssyncadd.s32 $0xFFFFC000  }
0x2a: {  	[spmem:s10] =	stream.linear.scatter [tilespmem:s19], [sflag:$0x2], $0x4000, $0x38;
	[tilespmem:$0x18100] =	vst v63  }
0x2b: {  	_ =	swait.ge [sflag:s20], $0x4000  }
0x2c: {  	[sflag:s20] =	ssyncset.done $0x0  }
0x2d: {  	[sflag:s20] =	ssyncadd.s32 $0xFFFFC000  }
0x2e: {  	s24 =	sadd.s32 $0x0, s18;
	[bflag:$0x0] =	sbarrier.arrive $0xFFFF  }
0x2f: {  	[tilespmem:s2], [sflag:$0x2] =	stream.linear.gather [hbm4b:s24+s2], $0x80, $0x38;
	[tilespmem:$0x18100] =	vst v63  }
0x30: {  	_ =	swait.ge [sflag:s20], $0x80  }
0x31: {  	[sflag:s20] =	ssyncset.done $0x0  }
0x32: {  	s31 =	sadd.s32 $0x0, s17;
	[sflag:s20] =	ssyncadd.s32 $0xFFFFFF80  }
0x33: {  	[tilespmem:s21], [sflag:$0x2] =	stream.linear.gather [hbm4b:s31+s2], $0x80, $0x38;
	[tilespmem:$0x18100] =	vst v63  }
0x34: {  	_ =	swait.ge [sflag:s20], $0x80  }
0x35: {  	[sflag:s20] =	ssyncset.done $0x0  }
0x36: {  	[sflag:s20] =	ssyncadd.s32 $0xFFFFFF80  }
0x37: {  	[tilespmem:s19], [sflag:$0x1] =	stream.indirect.gather [hbm4b:s4+s21], $0x80, s2, s21, $0xb8;
	[tilespmem:$0x18100] =	vst v63  }
0x38: {  	_ =	swait.ge [sflag:s22], $0x4000  }
0x39: {  	[sflag:s22] =	ssyncset.done $0x0  }
0x3a: {  	[sflag:s22] =	ssyncadd.s32 $0xFFFFC000  }
0x3b: {  	[spmem:s1] =	stream.indirect.scatter.add.f32 [tilespmem:s19], [sflag:$0x2], $0x80, s21, s21, $0xb8;
	[tilespmem:$0x18100] =	vst v63  }
0x3c: {  	_ =	swait.ge [sflag:s20], $0x4000  }
0x3d: {  	s25 =	simm.s32 $0x20;
	s24 =	simm.s32 $0x10;
	[sflag:s20] =	ssyncset.done $0x0  }
.LBB2_2:
0x3e: {  	s26 =	sadd.s32 s24, s18  }
0x3f: {  	[sflag:s20] =	ssyncadd.s32 $0xFFFFC000;
	s28 =	smov.u32 s25;
	s29 =	sadd.s32 $0x10, s25  }
0x40: {  	[tilespmem:s2], [sflag:$0x2] =	stream.linear.gather [hbm4b:s26+s2], $0x80, $0x38;
	[tilespmem:$0x18100] =	vst v63  }
0x41: {  	p0 =	sne.s32 s25, $0x4E0;
	_ =	swait.ge [sflag:s20], $0x80  }
0x42: {  	[sflag:s20] =	ssyncset.done $0x0  }
0x43: {  	s25 =	sadd.s32 s24, s17;
	s24 =	smov.u32 s28;
	[sflag:s20] =	ssyncadd.s32 $0xFFFFFF80  }
0x44: {  	[tilespmem:s21], [sflag:$0x2] =	stream.linear.gather [hbm4b:s25+s2], $0x80, $0x38;
	[tilespmem:$0x18100] =	vst v63  }
0x45: {  	_ =	swait.ge [sflag:s20], $0x80  }
0x46: {  	[sflag:s20] =	ssyncset.done $0x0  }
0x47: {  	[sflag:s20] =	ssyncadd.s32 $0xFFFFFF80  }
0x48: {  	[tilespmem:s19], [sflag:$0x1] =	stream.indirect.gather [hbm4b:s4+s21], $0x80, s2, s21, $0xb8;
	[tilespmem:$0x18100] =	vst v63  }
0x49: {  	_ =	swait.ge [sflag:s22], $0x4000  }
.Ltmp0:
0x4a: {  	[sflag:s22] =	ssyncset.done $0x0;
	(pc) =	sbr.rel @p0 .LBB2_2-.Ltmp0, $4  }
0x4b: {  	[sflag:s22] =	ssyncadd.s32 $0xFFFFC000  }
0x4c: {  	[spmem:s1] =	stream.indirect.scatter.add.f32 [tilespmem:s19], [sflag:$0x2], $0x80, s21, s21, $0xb8;
	[tilespmem:$0x18100] =	vst v63  }
0x4d: {  	_ =	swait.ge [sflag:s20], $0x4000  }
0x4e: {  	s25 =	smov.u32 s29;
	[sflag:s20] =	ssyncset.done $0x0  }
0x4f: {  	s25 =	sadd.s32 s24, s18;
	[sflag:s20] =	ssyncadd.s32 $0xFFFFC000  }
0x50: {  	[tilespmem:s2], [sflag:$0x2] =	stream.linear.gather [hbm4b:s25+s2], $0x80, $0x38;
	[tilespmem:$0x18100] =	vst v63  }
0x51: {  	_ =	swait.ge [sflag:s20], $0x80  }
0x52: {  	[sflag:s20] =	ssyncset.done $0x0  }
0x53: {  	s31 =	sadd.s32 s24, s17;
	[sflag:s20] =	ssyncadd.s32 $0xFFFFFF80  }
0x54: {  	[tilespmem:s21], [sflag:$0x2] =	stream.linear.gather [hbm4b:s31+s2], $0x80, $0x38;
	[tilespmem:$0x18100] =	vst v63  }
0x55: {  	_ =	swait.ge [sflag:s20], $0x80  }
0x56: {  	[sflag:s20] =	ssyncset.done $0x0  }
0x57: {  	[sflag:s20] =	ssyncadd.s32 $0xFFFFFF80  }
0x58: {  	[tilespmem:s19], [sflag:$0x1] =	stream.indirect.gather [hbm4b:s4+s21], $0x80, s2, s21, $0xb8;
	[tilespmem:$0x18100] =	vst v63  }
0x59: {  	_ =	swait.ge [sflag:s22], $0x4000  }
0x5a: {  	[sflag:s22] =	ssyncset.done $0x0  }
0x5b: {  	[sflag:s22] =	ssyncadd.s32 $0xFFFFC000  }
0x5c: {  	[spmem:s1] =	stream.indirect.scatter.add.f32 [tilespmem:s19], [sflag:$0x2], $0x80, s21, s21, $0xb8;
	[tilespmem:$0x18100] =	vst v63  }
0x5d: {  	_ =	swait.ge [sflag:s20], $0x4000  }
0x5e: {  	[sflag:s20] =	ssyncset.done $0x0  }
0x5f: {  	[sflag:s20] =	ssyncadd.s32 $0xFFFFC000  }
0x60: {  	[bflag:$0x0] =	sbarrier.arrive $0xFFFF  }
0x61: {  	[tilespmem:s19], [sflag:$0x2] =	stream.linear.gather [spmem:s6], $0x4000, $0x38;
	[tilespmem:$0x18100] =	vst v63  }
0x62: {  	_ =	swait.ge [sflag:s20], $0x4000  }
0x63: {  	[sflag:s20] =	ssyncset.done $0x0  }
0x64: {  	[sflag:s20] =	ssyncadd.s32 $0xFFFFC000  }
0x65: {  	[hbm4b:s11+s2] =	stream.linear.scatter [tilespmem:s19], [sflag:$0x2], $0x4000, $0x38;
	[tilespmem:$0x18100] =	vst v63  }
0x66: {  	_ =	swait.ge [sflag:s20], $0x4000  }
0x67: {  	[sflag:s20] =	ssyncset.done $0x0  }
0x68: {  	[sflag:s20] =	ssyncadd.s32 $0xFFFFC000  }
0x69: {  	[tilespmem:s19], [sflag:$0x2] =	stream.linear.gather [spmem:s7], $0x4000, $0x38;
	[tilespmem:$0x18100] =	vst v63  }
0x6a: {  	_ =	swait.ge [sflag:s20], $0x4000  }
0x6b: {  	[sflag:s20] =	ssyncset.done $0x0  }
0x6c: {  	[sflag:s20] =	ssyncadd.s32 $0xFFFFC000  }
0x6d: {  	[hbm4b:s12+s2] =	stream.linear.scatter [tilespmem:s19], [sflag:$0x2], $0x4000, $0x38;
	[tilespmem:$0x18100] =	vst v63  }
0x6e: {  	_ =	swait.ge [sflag:s20], $0x4000  }
0x6f: {  	[sflag:s20] =	ssyncset.done $0x0  }
0x70: {  	[sflag:s20] =	ssyncadd.s32 $0xFFFFC000  }
0x71: {  	[tilespmem:s19], [sflag:$0x2] =	stream.linear.gather [spmem:s8], $0x4000, $0x38;
	[tilespmem:$0x18100] =	vst v63  }
0x72: {  	_ =	swait.ge [sflag:s20], $0x4000  }
0x73: {  	[sflag:s20] =	ssyncset.done $0x0  }
0x74: {  	[sflag:s20] =	ssyncadd.s32 $0xFFFFC000  }
0x75: {  	[hbm4b:s13+s2] =	stream.linear.scatter [tilespmem:s19], [sflag:$0x2], $0x4000, $0x38;
	[tilespmem:$0x18100] =	vst v63  }
0x76: {  	_ =	swait.ge [sflag:s20], $0x4000  }
0x77: {  	[sflag:s20] =	ssyncset.done $0x0  }
0x78: {  	[sflag:s20] =	ssyncadd.s32 $0xFFFFC000  }
0x79: {  	[tilespmem:s19], [sflag:$0x2] =	stream.linear.gather [spmem:s9], $0x4000, $0x38;
	[tilespmem:$0x18100] =	vst v63  }
0x7a: {  	_ =	swait.ge [sflag:s20], $0x4000  }
0x7b: {  	[sflag:s20] =	ssyncset.done $0x0  }
0x7c: {  	[sflag:s20] =	ssyncadd.s32 $0xFFFFC000  }
0x7d: {  	[hbm4b:s14+s2] =	stream.linear.scatter [tilespmem:s19], [sflag:$0x2], $0x4000, $0x38;
	[tilespmem:$0x18100] =	vst v63  }
0x7e: {  	_ =	swait.ge [sflag:s20], $0x4000  }
0x7f: {  	[sflag:s20] =	ssyncset.done $0x0  }
0x80: {  	[sflag:s20] =	ssyncadd.s32 $0xFFFFC000  }
0x81: {  	[tilespmem:s19], [sflag:$0x2] =	stream.linear.gather [spmem:s10], $0x4000, $0x38;
	[tilespmem:$0x18100] =	vst v63  }
0x82: {  	s23 =	sadd.s32 $0x1, s23;
	_ =	swait.ge [sflag:s20], $0x4000  }
0x83: {  	p0 =	sne.s32 s23, s16;
	[sflag:s20] =	ssyncset.done $0x0  }
.Ltmp1:
0x84: {  	[sflag:s20] =	ssyncadd.s32 $0xFFFFC000;
	(pc) =	sbr.rel @p0 .LBB2_1-.Ltmp1, $4  }
0x85: {  	[hbm4b:s15+s2] =	stream.linear.scatter [tilespmem:s19], [sflag:$0x2], $0x4000, $0x38;
	[tilespmem:$0x18100] =	vst v63  }
0x86: {  	_ =	swait.ge [sflag:s20], $0x4000  }
0x87: {  	[sflag:s20] =	ssyncset.done $0x0  }
0x88: {  	[sflag:s20] =	ssyncadd.s32 $0xFFFFC000  }
0x89: {  	_ =	sfence.sel $0x180000  }
0x8a: {  	[bflag:$0x0] =	sbarrier.arrive $0xFFFF  }
0x8b: {  	p0 =	sne.s32 s3, $0x0;
	_ =	strace $0x9000004D  }
0x8c: {  	s0 =	sadd.s32 @!p0 $0x100000, s0;
	[bflag:$0x2] =	sbarrier.arrive $0xFFFF  }
0x8d: {  	[sflag:s0] =	ssyncadd.tile.s32 @!p0 $0x1;
	_ =	shalt  }
.Lfunc_end2:
_tile_overlayer_lowered:
.L_overlay_start_2:
0x8e: {  	(tag) =	ssettag $0x2  }
0x8f: {  	s0 =	rddreg [dreg:$0x0];
	s2 =	stileid.u32  }
0x90: {  	s1 =	rddreg [dreg:$0x1];
	p0 =	sne.s32 s2, $0x0  }
0x91: {  	s3 =	rddreg [dreg:$0x2];
	[bflag:$0x3] =	sbarrier.arrive $0xFFFF;
	s2 =	simm.s32 @!p0 $0x1C02  }
0x92: {  	[timem:s3], [sflag:s2] =	dma.local @!p0 [hbm:s0], s1  }
0x93: {  	s0 =	simm.s32 @!p0 $0x2  }
0x94: {  	_ =	swait.ge @!p0 [sflag:s0], s1  }
0x95: {  	s1 =	ssub.s32 @!p0 $0x0, s1;
	[sflag:s0] =	ssyncset.done @!p0 $0x0  }
0x96: {  	[sflag:s0] =	ssyncadd.s32 @!p0 s1  }
0x97: {  	[bflag:$0x3] =	sbarrier.arrive $0xFFFF  }
0x98: {  	_ =	shalt  }

// kernel: kernel.8.cloned.1.call-start
scs
__scs_entry_jumppad:
0x0: {  	(pc) =	sbr.rel $0x88, $3  }
0x1: {  	(tag) =	ssettag $0x0;
	lr =	simm.s32 $0x1  }
0x2: {  	[smem:$0x3F99] =	sst lr;
	_ =	strace $0xD0000000  }
0x3: {  	_ = 	snop  }
0x4: {  	_ = 	snop  }
0x5: {  	_ = 	snop  }
0x6: {  	_ = 	snop  }
0x7: {  	_ = 	snop  }
__scs_overlays_trampoline_lowered:
0x8: {  	[smem:$0x3FA8] =	sst s0  }
0x9: {  	[smem:$0x3FA9] =	sst s1  }
0xa: {  	[smem:$0x3FAA] =	sst s2  }
0xb: {  	[smem:$0x3FAB] =	sst s3  }
0xc: {  	[smem:$0x3FAC] =	sst s4  }
0xd: {  	[smem:$0x3FAD] =	sst s5  }
0xe: {  	[smem:$0x3FAE] =	sst s6  }
0xf: {  	[smem:$0x3FAF] =	sst s7  }
0x10: {  	[smem:$0x3FB0] =	sst s8  }
0x11: {  	[smem:$0x3FB1] =	sst s9;
	s0 =	simm.s32 @!p0 $0x0  }
0x12: {  	s1 =	sld [smem:$0x3F97];
	s0 =	simm.s32 @p0 $0x1  }
0x13: {  	[smem:$0x3FB2] =	sst s0;
	s0 =	simm.s32 @!p1 $0x0  }
0x14: {  	s2 =	sld [smem:$0x3F96];
	s0 =	simm.s32 @p1 $0x1  }
0x15: {  	[smem:$0x3FB3] =	sst s0;
	s0 =	simm.s32 @!p2 $0x0  }
0x16: {  	s3 =	sld [smem:$0x3FDB];
	s0 =	simm.s32 @p2 $0x1  }
0x17: {  	s4 =	simm.s32 $0x1BF5;
	[smem:$0x3FB5] =	sst s0  }
0x18: {  	s0 =	sld [smem:$0x3F98];
	_ =	swait.ge [sflag:s4], $0x0  }
0x19: {  	s7 =	sld [smem:$0x3F99]  }
0x1a: {  	s8 =	sadd.s32 $0xFFFFE003, lr  }
0x1b: {  	s9 =	sadd.s32 $0xFFFFFEF7, lr;
	s5 =	simm.s32 $0xFFFFFFFF;
	p2 =	slt.u32 s8, $0xFFFFF086  }
0x1c: {  	p1 =	slt.u32 s9, $0xF7A;
	s5 =	simm.s32 @!p2 $0x0  }
0x1d: {  	s5 =	simm.s32 @p1 $0x1;
	p0 =	seq.s32 s7, s2  }
0x1e: {  	s7 =	smul.u32 @!p0 $0xF7A, s2;
	p2 =	seq.s32 @!p0 s5, $0x0  }
0x1f: {  	s9 =	smul.u32 $0xF7A, s1;
	s8 =	simm.s32 @!p0 $0x1BF5;
	p2 =	por !p2, p0  }
0x20: {  	[sflag:s8] =	ssyncset.s32 @!p0 $0xFFFFF086;
	s6 =	sadd.s32 @!p0 s3, s7;
	s7 =	simm.s32 @!p0 $0x108  }
0x21: {  	s3 =	sadd.s32 s3, s9;
	s6 =	sadd.s32 @!p0 $0x88, s6;
	s7 =	simm.s32 @p2 $0x1082  }
0x22: {  	[simem:s7], [sflag:s8] =	dma.local @!p0 [hbm:s6], $0xF7A  }
0x23: {  	s9 =	sor.u32 $0xD0000000, s2;
	s6 =	simm.s32 $0x108;
	_ =	swait.ge @!p0 [sflag:s8], $0x0  }
0x24: {  	s3 =	sadd.s32 $0x88, s3;
	s6 =	simm.s32 @!p1 $0x1082;
	[sflag:s4] =	ssyncset.s32 $0xFFFFF086  }
0x25: {  	[simem:s6], [sflag:s4] =	dma.local [hbm:s3], $0xF7A  }
0x26: {  	[smem:$0x3F99] =	sst s1;
	(tag) =	ssettag s2;
	_ =	strace s9  }
0x27: {  	s1 =	sld [smem:$0x3FA9]  }
0x28: {  	s2 =	sld [smem:$0x3FAA]  }
0x29: {  	s4 =	sld [smem:$0x3FAC]  }
0x2a: {  	p0 =	seq.s32 s5, $0x0;
	s5 =	sld [smem:$0x3FAD]  }
0x2b: {  	s6 =	sld [smem:$0x3FAE]  }
0x2c: {  	s7 =	sld [smem:$0x3FAF]  }
0x2d: {  	s3 =	simm.s32 $0x108;
	s8 =	sld [smem:$0x3FB0]  }
0x2e: {  	s3 =	simm.s32 @!p0 $0x1082;
	s9 =	sld [smem:$0x3FB1]  }
0x2f: {  	lr =	sadd.s32 s0, s3;
	s0 =	sld [smem:$0x3FA8]  }
0x30: {  	s3 =	sld [smem:$0x3FAB]  }
0x31: {  	[smem:$0x3FB4] =	sst s10  }
0x32: {  	s10 =	sld [smem:$0x3FB2];
	_ =	sdelay $0x3  }
0x33: {  	p0 =	seq.s32 s10, $0x1;
	s10 =	sld [smem:$0x3FB4];
	_ =	sdelay $0x3  }
0x34: {  	[smem:$0x3FB4] =	sst s10  }
0x35: {  	s10 =	sld [smem:$0x3FB3];
	_ =	sdelay $0x3  }
0x36: {  	p1 =	seq.s32 s10, $0x1;
	s10 =	sld [smem:$0x3FB4];
	_ =	sdelay $0x3  }
0x37: {  	[smem:$0x3FB4] =	sst s10  }
0x38: {  	s10 =	sld [smem:$0x3FB5]  }
0x39: {  	_ = 	snop;
	(pc) =	sbr.ind lr, $3  }
0x3a: {  	_ = 	snop  }
0x3b: {  	_ = 	snop  }
0x3c: {  	p2 =	seq.s32 s10, $0x1;
	s10 =	sld [smem:$0x3FB4]  }
0x3d: {  	_ =	shalt  }
0x3e: {  	_ =	shalt  }
0x3f: {  	_ =	shalt  }
0x40: {  	_ =	shalt  }
0x41: {  	_ =	shalt  }
0x42: {  	_ =	shalt  }
0x43: {  	_ =	shalt  }
0x44: {  	_ =	shalt  }
0x45: {  	_ =	shalt  }
0x46: {  	_ =	shalt  }
0x47: {  	_ =	shalt  }
0x48: {  	_ =	shalt  }
0x49: {  	_ =	shalt  }
0x4a: {  	_ =	shalt  }
0x4b: {  	_ =	shalt  }
0x4c: {  	_ =	shalt  }
0x4d: {  	_ =	shalt  }
0x4e: {  	_ =	shalt  }
0x4f: {  	_ =	shalt  }
0x50: {  	_ =	shalt  }
0x51: {  	_ =	shalt  }
0x52: {  	_ =	shalt  }
0x53: {  	_ =	shalt  }
0x54: {  	_ =	shalt  }
0x55: {  	_ =	shalt  }
0x56: {  	_ =	shalt  }
0x57: {  	_ =	shalt  }
0x58: {  	_ =	shalt  }
0x59: {  	_ =	shalt  }
0x5a: {  	_ =	shalt  }
0x5b: {  	_ =	shalt  }
0x5c: {  	_ =	shalt  }
0x5d: {  	_ =	shalt  }
0x5e: {  	_ =	shalt  }
0x5f: {  	_ =	shalt  }
0x60: {  	_ =	shalt  }
0x61: {  	_ =	shalt  }
0x62: {  	_ =	shalt  }
0x63: {  	_ =	shalt  }
0x64: {  	_ =	shalt  }
0x65: {  	_ =	shalt  }
0x66: {  	_ =	shalt  }
0x67: {  	_ =	shalt  }
0x68: {  	_ =	shalt  }
0x69: {  	_ =	shalt  }
0x6a: {  	_ =	shalt  }
0x6b: {  	_ =	shalt  }
0x6c: {  	_ =	shalt  }
0x6d: {  	_ =	shalt  }
0x6e: {  	_ =	shalt  }
0x6f: {  	_ =	shalt  }
0x70: {  	_ =	shalt  }
0x71: {  	_ =	shalt  }
0x72: {  	_ =	shalt  }
0x73: {  	_ =	shalt  }
0x74: {  	_ =	shalt  }
0x75: {  	_ =	shalt  }
0x76: {  	_ =	shalt  }
0x77: {  	_ =	shalt  }
0x78: {  	_ =	shalt  }
0x79: {  	_ =	shalt  }
0x7a: {  	_ =	shalt  }
0x7b: {  	_ =	shalt  }
0x7c: {  	_ =	shalt  }
0x7d: {  	_ =	shalt  }
0x7e: {  	_ =	shalt  }
0x7f: {  	_ =	shalt  }
0x80: {  	_ =	shalt  }
0x81: {  	_ =	shalt  }
0x82: {  	_ =	shalt  }
0x83: {  	_ =	shalt  }
0x84: {  	_ =	shalt  }
0x85: {  	_ =	shalt  }
0x86: {  	_ =	shalt  }
0x87: {  	_ =	shalt  }
.Lfunc_end0:
.L_simem_size_0:
called_computation_lowered:
.L_overlay_start_0:
0x88: {  	s2 =	sld [smem:$0x3FD9]  }
0x89: {  	s3 =	sld [smem:$0x3FFE];
	_ =	sdelay $0x1  }
0x8a: {  	s1 =	srdreg.scid  }
0x8b: {  	s0 =	sand.u32 $0x1, s1  }
0x8c: {  	s17 =	sshll.u32 s0, $0xA;
	s2 =	sadd.s32 s3, s2  }
0x8d: {  	s2 =	sadd.s32 s2, s17  }
0x8e: {  	[smem:$0x3FC0] =	sst s2  }
0x8f: {  	_ = 	snop  }
0x90: {  	s2 =	sld [smem:$0x3FD0];
	(tm) =	ssettm $0x1  }
0x91: {  	s18 =	sld [smem:$0x3FFB];
	_ =	sdelay $0x3  }
0x92: {  	_ =	strace s18  }
0x93: {  	s3 =	sld [smem:$0x3FFC];
	_ =	sdelay $0x3  }
0x94: {  	_ =	strace s3  }
0x95: {  	s3 =	sld [smem:$0x3FFD];
	_ =	sdelay $0x3  }
0x96: {  	_ =	strace s3  }
0x97: {  	_ =	strace $0x8FFFFFFF  }
0x98: {  	s19 =	sld [smem:$0x3FDB];
	_ =	sdelay $0x1  }
0x99: {  	s4 =	simm.s32 $_scs_section_size  }
0x9a: {  	s5 =	simm.s32 $_size__tile_overlayer_lowered;
	s6 =	simm.s32 $_tile_overlayer_lowered  }
0x9b: {  	s22 =	simm.s32 $0x1BFF;
	s21 =	sshll.u32 s6, $0x1;
	s3 =	sadd.s32 s4, s19  }
0x9c: {  	s7 =	simm.s32 $0x0;
	s20 =	sshll.u32 s5, $0x1;
	s5 =	sadd.s32 s21, s3  }
0x9d: {  	[timem:s7], [sflag:s22] =	dma.local [hbm:s5], s20  }
0x9e: {  	_ =	swait.ge [sflag:s22], s20  }
0x9f: {  	s4 =	ssub.s32 $0x0, s20;
	[sflag:s22] =	ssyncset.done $0x0  }
0xa0: {  	[sflag:s22] =	ssyncadd.s32 s4;
	_ =	sdelay $0x1  }
0xa1: {  	s23 =	simm.s32 $0x1B8B  }
0xa2: {  	_ =	swait.ge [sflag:s23], $0x1  }
0xa3: {  	[sflag:s23] =	ssyncset.done $0x0  }
0xa4: {  	s25 =	simm.s32 $0x1B8E;
	s24 =	sld [smem:$0x3FFE];
	[sflag:s23] =	ssyncadd.s32 $0xFFFFFFFF  }
0xa5: {  	s26 =	simm.s32 $execute0_lowered;
	[smem:$0x3FD2] =	sst s25  }
0xa6: {  	s5 =	sshll.u32 s26, $0x1;
	_ =	strace $0x80000046;
	[dreg:$0x1] =	wrdreg $0xFFFFFFFF  }
0xa7: {  	s28 =	simm.s32 $_size_execute0_lowered;
	s3 =	sadd.s32 s3, s5;
	[dreg:$0x0] =	wrdreg $0x0  }
0xa8: {  	s5 =	sshll.u32 s28, $0x1;
	[dreg:$0x2] =	wrdreg s3  }
0xa9: {  	[dreg:$0x3] =	wrdreg s5  }
0xaa: {  	[dreg:$0x4] =	wrdreg $0xC0  }
0xab: {  	_ =	task [dreg:s7], $0x5FFFF  }
0xac: {  	[dreg:$0x1] =	wrdreg $0xFFFFFFFF  }
0xad: {  	[dreg:$0x0] =	wrdreg $0x60  }
0xae: {  	[dreg:$0x2] =	wrdreg s2  }
0xaf: {  	[dreg:$0x3] =	wrdreg s24  }
0xb0: {  	[dreg:$0x4] =	wrdreg $0x4000  }
0xb1: {  	[dreg:$0x5] =	wrdreg $0x9  }
0xb2: {  	_ =	task.clear_ibuf [dreg:s7], $0x6FFFF;
	_ =	strace $0x90000046  }
0xb3: {  	s29 =	simm.s32 $0x9;
	_ =	strace $0x80000048  }
0xb4: {  	_ =	swait.ge [sflag:s29], $0x1  }
0xb5: {  	[sflag:s29] =	ssyncadd.s32 $0xFFFFFFFF  }
0xb6: {  	_ =	strace $0x90000048  }
0xb7: {  	_ =	sfence  }
0xb8: {  	s30 =	sld [smem:$0x0];
	_ =	sdelay $0x2  }
0xb9: {  	s31 =	sshll.u32 s1, $0xD;
	s1 =	sshrl.u32 s1, $0x2  }
0xba: {  	s3 =	sand.u32 $0x4000, s31;
	s1 =	sadd.s32 s1, s30  }
0xbb: {  	s0 =	sor.u32 s3, s0;
	s1 =	sshll.u32 s1, $0x11  }
0xbc: {  	s0 =	sor.u32 s1, s0  }
0xbd: {  	s0 =	sadd.s32 $0x8F2B, s0  }
0xbe: {  	[sflag:s0] =	ssyncadd.remote.s32 $0x1  }
0xbf: {  	_ =	sfence.sel $0xFFFF  }
0xc0: {  	[dreg:$0x0] =	wrdreg $0xFFFFFFFF;
	(pc) =	sbr.abs _section_cstart, $3  }
0xc1: {  	[dreg:$0x1] =	wrdreg $0xFFFFFFFF  }
0xc2: {  	_ =	task.clear_ibuf [dreg:s7], $0x2FFFF;
	_ =	strace $0x9FFFFFFF  }
0xc3: {  	(tm) =	ssettm $0x7FFFFFFF  }
tec
execute0_lowered:
.L_overlay_start_1:
0x0: {  	(tag) =	ssettag $0x1  }
0x1: {  	s13 =	rddreg [dreg:$0x0]  }
0x2: {  	s6 =	rddreg [dreg:$0x1]  }
0x3: {  	s1 =	rddreg [dreg:$0x2]  }
0x4: {  	s0 =	rddreg [dreg:$0x3];
	s3 =	simm.s32 $0x0  }
0x5: {  	s4 =	srdreg.scid;
	s2 =	stileid.u32;
	s17 =	simm.s32 $0x180  }
0x6: {  	s18 =	simm.s32 $0x0;
	[smem:$0x7FF] =	sst s3;
	s7 =	smul.u32 $0x500, s2  }
0x7: {  	s9 =	sand.u32 $0x1, s4;
	s4 =	sadd.s32 $0x2600, s6;
	s10 =	smul.u32 $0xA00, s2  }
0x8: {  	s5 =	sadd.s32 $0x2800, s6;
	s16 =	smul.u32 $0x4F0, s2;
	_ =	strace $0x80000047  }
0x9: {  	s8 =	sshll.u32 s9, $0x7;
	s31 =	ssub.s32 $0x2, s9;
	s15 =	smul.u32 $0x4F00, s9  }
0xa: {  	s7 =	sor.u32 s8, s7;
	s11 =	sshrl.u32 s31, $0x1;
	s10 =	sshrl.u32 s10, $0x2  }
0xb: {  	s7 =	sshrl.u32 s7, $0x3;
	s14 =	ssub.s32 s31, s11;
	s13 =	sadd.s32 s15, s13  }
0xc: {  	s15 =	simm.s32 $0x1;
	s12 =	sadd.s32 s7, s6;
	s6 =	sadd.s32 s10, s1  }
0xd: {  	s13 =	sadd.s32 s16, s13;
	s16 =	simm.s32 $0x100;
	s7 =	sadd.s32 $0x80, s6  }
0xe: {  	s8 =	sadd.s32 $0x100, s6;
	s9 =	sadd.s32 $0x180, s6;
	s10 =	sadd.s32 $0x200, s6  }
0xf: {  	s11 =	sadd.s32 $0x2A00, s12;
	s12 =	smax.u32 s14, $0x1;
	s14 =	simm.s32 $0x80  }
.LBB2_1:
0x10: {  	[tilespmem:s14], [sflag:$0x1] =	stream.linear.gather [hbm4b:s4+s3], $0x80, $0x38;
	[tilespmem:$0x680] =	vst v63  }
0x11: {  	_ =	swait.ge [sflag:s15], $0x80  }
0x12: {  	[sflag:s15] =	ssyncset.done $0x0  }
0x13: {  	[sflag:s15] =	ssyncadd.s32 $0xFFFFFF80  }
0x14: {  	[tilespmem:s16], [sflag:$0x1] =	stream.linear.gather [hbm4b:s5+s3], $0x80, $0x38;
	[tilespmem:$0x680] =	vst v63  }
0x15: {  	_ =	swait.ge [sflag:s15], $0x80  }
0x16: {  	[sflag:s15] =	ssyncset.done $0x0  }
0x17: {  	[sflag:s15] =	ssyncadd.s32 $0xFFFFFF80  }
0x18: {  	[spmem:s6] =	stream.linear.scatter [tilespmem:s16], [sflag:$0x1], $0x80, $0x38;
	[tilespmem:$0x680] =	vst v63  }
0x19: {  	_ =	swait.ge [sflag:s15], $0x80  }
0x1a: {  	[sflag:s15] =	ssyncset.done $0x0  }
0x1b: {  	[sflag:s15] =	ssyncadd.s32 $0xFFFFFF80  }
0x1c: {  	[spmem:s7] =	stream.linear.scatter [tilespmem:s16], [sflag:$0x1], $0x80, $0x38;
	[tilespmem:$0x680] =	vst v63  }
0x1d: {  	_ =	swait.ge [sflag:s15], $0x80  }
0x1e: {  	[sflag:s15] =	ssyncset.done $0x0  }
0x1f: {  	[sflag:s15] =	ssyncadd.s32 $0xFFFFFF80  }
0x20: {  	[spmem:s8] =	stream.linear.scatter [tilespmem:s16], [sflag:$0x1], $0x80, $0x38;
	[tilespmem:$0x680] =	vst v63  }
0x21: {  	_ =	swait.ge [sflag:s15], $0x80  }
0x22: {  	[sflag:s15] =	ssyncset.done $0x0  }
0x23: {  	[sflag:s15] =	ssyncadd.s32 $0xFFFFFF80  }
0x24: {  	[spmem:s9] =	stream.linear.scatter [tilespmem:s16], [sflag:$0x1], $0x80, $0x38;
	[tilespmem:$0x680] =	vst v63  }
0x25: {  	_ =	swait.ge [sflag:s15], $0x80  }
0x26: {  	[sflag:s15] =	ssyncset.done $0x0  }
0x27: {  	[sflag:s15] =	ssyncadd.s32 $0xFFFFFF80  }
0x28: {  	[spmem:s10] =	stream.linear.scatter [tilespmem:s16], [sflag:$0x1], $0x80, $0x38;
	[tilespmem:$0x680] =	vst v63  }
0x29: {  	_ =	swait.ge [sflag:s15], $0x80  }
0x2a: {  	[sflag:s15] =	ssyncset.done $0x0  }
0x2b: {  	[sflag:s15] =	ssyncadd.s32 $0xFFFFFF80  }
0x2c: {  	s19 =	sadd.s32 $0x0, s13;
	[bflag:$0x0] =	sbarrier.arrive $0xFFFF  }
0x2d: {  	[tilespmem:s3], [sflag:$0x1] =	stream.linear.gather [hbm4b:s19+s3], $0x80, $0x38;
	[tilespmem:$0x680] =	vst v63  }
0x2e: {  	_ =	swait.ge [sflag:s15], $0x80  }
0x2f: {  	[sflag:s15] =	ssyncset.done $0x0  }
0x30: {  	[sflag:s15] =	ssyncadd.s32 $0xFFFFFF80  }
0x31: {  	[spmem:s1] =	stream.indirect.scatter.add.f32 [tilespmem:s14], [sflag:$0x1], $0x1, s3, s14, $0xb8;
	[tilespmem:$0x680] =	vst v63  }
0x32: {  	_ =	swait.ge [sflag:s15], $0x80  }
0x33: {  	s20 =	simm.s32 $0x20;
	s19 =	simm.s32 $0x10;
	[sflag:s15] =	ssyncset.done $0x0  }
.LBB2_2:
0x34: {  	s21 =	sadd.s32 s19, s13  }
0x35: {  	[sflag:s15] =	ssyncadd.s32 $0xFFFFFF80;
	s19 =	smov.u32 s20;
	s22 =	sadd.s32 $0x10, s20  }
0x36: {  	[tilespmem:s3], [sflag:$0x1] =	stream.linear.gather [hbm4b:s21+s3], $0x80, $0x38;
	[tilespmem:$0x680] =	vst v63  }
0x37: {  	p0 =	sne.s32 s20, $0x4E0;
	_ =	swait.ge [sflag:s15], $0x80  }
.Ltmp0:
0x38: {  	[sflag:s15] =	ssyncset.done $0x0;
	(pc) =	sbr.rel @p0 .LBB2_2-.Ltmp0, $4  }
0x39: {  	[sflag:s15] =	ssyncadd.s32 $0xFFFFFF80  }
0x3a: {  	[spmem:s1] =	stream.indirect.scatter.add.f32 [tilespmem:s14], [sflag:$0x1], $0x1, s3, s14, $0xb8;
	[tilespmem:$0x680] =	vst v63  }
0x3b: {  	_ =	swait.ge [sflag:s15], $0x80  }
0x3c: {  	s20 =	smov.u32 s22;
	[sflag:s15] =	ssyncset.done $0x0  }
0x3d: {  	s19 =	sadd.s32 s19, s13;
	[sflag:s15] =	ssyncadd.s32 $0xFFFFFF80  }
0x3e: {  	[tilespmem:s3], [sflag:$0x1] =	stream.linear.gather [hbm4b:s19+s3], $0x80, $0x38;
	[tilespmem:$0x680] =	vst v63  }
0x3f: {  	_ =	swait.ge [sflag:s15], $0x80  }
0x40: {  	[sflag:s15] =	ssyncset.done $0x0  }
0x41: {  	[sflag:s15] =	ssyncadd.s32 $0xFFFFFF80  }
0x42: {  	[spmem:s1] =	stream.indirect.scatter.add.f32 [tilespmem:s14], [sflag:$0x1], $0x1, s3, s14, $0xb8;
	[tilespmem:$0x680] =	vst v63  }
0x43: {  	_ =	swait.ge [sflag:s15], $0x80  }
0x44: {  	[sflag:s15] =	ssyncset.done $0x0  }
0x45: {  	[sflag:s15] =	ssyncadd.s32 $0xFFFFFF80  }
0x46: {  	[bflag:$0x0] =	sbarrier.arrive $0xFFFF  }
0x47: {  	[tilespmem:s17], [sflag:$0x1] =	stream.linear.gather [spmem:s6], $0x280, $0x38;
	[tilespmem:$0x680] =	vst v63  }
0x48: {  	s18 =	sadd.s32 $0x1, s18;
	_ =	swait.ge [sflag:s15], $0x280  }
0x49: {  	p0 =	sne.s32 s18, s12;
	[sflag:s15] =	ssyncset.done $0x0  }
.Ltmp1:
0x4a: {  	[sflag:s15] =	ssyncadd.s32 $0xFFFFFD80;
	(pc) =	sbr.rel @p0 .LBB2_1-.Ltmp1, $4  }
0x4b: {  	[hbm4b:s11+s14] =	stream.strided.scatter [tilespmem:s17], [sflag:$0x1], $0x280, s16, s14, $0x38;
	[tilespmem:$0x680] =	vst v63  }
0x4c: {  	_ =	swait.ge [sflag:s15], $0x280  }
0x4d: {  	[sflag:s15] =	ssyncset.done $0x0  }
0x4e: {  	[sflag:s15] =	ssyncadd.s32 $0xFFFFFD80  }
0x4f: {  	_ =	sfence.sel $0x180000  }
0x50: {  	[bflag:$0x0] =	sbarrier.arrive $0xFFFF  }
0x51: {  	p0 =	sne.s32 s2, $0x0;
	_ =	strace $0x90000047  }
0x52: {  	s0 =	sadd.s32 @!p0 $0x100000, s0;
	[bflag:$0x2] =	sbarrier.arrive $0xFFFF  }
0x53: {  	[sflag:s0] =	ssyncadd.tile.s32 @!p0 $0x1;
	_ =	shalt  }
.Lfunc_end2:
_tile_overlayer_lowered:
.L_overlay_start_2:
0x54: {  	(tag) =	ssettag $0x2  }
0x55: {  	s0 =	rddreg [dreg:$0x0];
	s2 =	stileid.u32  }
0x56: {  	s1 =	rddreg [dreg:$0x1];
	p0 =	sne.s32 s2, $0x0  }
0x57: {  	s3 =	rddreg [dreg:$0x2];
	[bflag:$0x3] =	sbarrier.arrive $0xFFFF;
	s2 =	simm.s32 @!p0 $0x1C01  }
0x58: {  	[timem:s3], [sflag:s2] =	dma.local @!p0 [hbm:s0], s1  }
0x59: {  	s0 =	simm.s32 @!p0 $0x1  }
0x5a: {  	_ =	swait.ge @!p0 [sflag:s0], s1  }
0x5b: {  	s1 =	ssub.s32 @!p0 $0x0, s1;
	[sflag:s0] =	ssyncset.done @!p0 $0x0  }
0x5c: {  	[sflag:s0] =	ssyncadd.s32 @!p0 s1  }
0x5d: {  	[bflag:$0x3] =	sbarrier.arrive $0xFFFF  }
0x5e: {  	_ =	shalt  }

</sc_bundles>
